<compile_context>
chip_gen: v7x
topology: tpu7x:2x2x1
jax: 0.10.2.dev20260603
libtpu: 0.0.44.dev20260713+nightly
codegen_flags: <defaults>
</compile_context>

<pallas_src>
import jax
import jax.numpy as jnp
import numpy as np
from jax import lax
from jax.experimental import pallas as pl
from jax.experimental.pallas import tpu as pltpu
from jax.experimental.pallas import tpu_sc as plsc

_N_CAT = 26
_N_NUM = 13
_NF = _N_NUM + _N_CAT
_D = 64
_BATCH = 16384
_CARD = 100000

_NC, _NS = 2, 16
_NW = _NC * _NS
_RPT = _BATCH // _NW
_L = 16


def _sc_body(xcT_h, table_h, out_h, idx_v, rowsA_v, rowsB_v, gsemA, gsemB):
    wid = lax.axis_index("s") * _NC + lax.axis_index("c")
    b0 = wid * _RPT

    pltpu.sync_copy(xcT_h.at[:, pl.ds(b0, _RPT)], idx_v)

    def add_off(v, c):
        for j in range(_N_CAT):
            idx_v[j, pl.ds(v * _L, _L)] = idx_v[j, pl.ds(v * _L, _L)] + j * _CARD
        return c
    lax.fori_loop(0, _RPT // _L, add_off, 0)

    def issue(j, rows_v, sem):
        for g in range(4):
            pltpu.async_copy(
                table_h.at[idx_v.at[j, pl.ds(g * 128, 128)]],
                rows_v.at[pl.ds(g * 128, 128), :],
                sem)

    def drain(rows_v, sem):
        pltpu.make_async_copy(table_h.at[pl.ds(0, _RPT), :], rows_v, sem).wait()

    issue(0, rowsA_v, gsemA)

    def pair(i, c):
        j = i * 2
        issue(j + 1, rowsB_v, gsemB)
        drain(rowsA_v, gsemA)
        pltpu.sync_copy(rowsA_v, out_h.at[pl.ds(j * _BATCH + b0, _RPT), :])

        @pl.when(j + 2 < _N_CAT)
        def _():
            issue(j + 2, rowsA_v, gsemA)
        drain(rowsB_v, gsemB)
        pltpu.sync_copy(rowsB_v, out_h.at[pl.ds((j + 1) * _BATCH + b0, _RPT), :])
        return c
    lax.fori_loop(0, _N_CAT // 2, pair, 0)


_BB = 16


def _tc_body(g_ref, xn_ref, w_ref, bn_ref, bias_ref, o_ref):
    f = pl.program_id(0)

    @pl.when(f < _N_NUM)
    def _():
        x2 = xn_ref[0, 0, :].reshape(_BB, 128)
        w = w_ref[0, 0, :]
        b = bn_ref[0, 0, :]
        for bb in range(_BB):
            t = w[:, None] * x2[bb][None, :] + b[:, None]
            o_ref[0, :, bb] = t.reshape(8, 8, 128)

    @pl.when(f >= _N_NUM)
    def _():
        ga = g_ref[...]
        bias = bias_ref[0, 0, :]
        for p in range(_BB // 2):
            mt = ga[0, p * 16:(p + 1) * 16].reshape(128, 128).T
            t0 = jnp.concatenate([mt[:64, :64], mt[64:, :64]], axis=1)
            t1 = jnp.concatenate([mt[:64, 64:], mt[64:, 64:]], axis=1)
            o_ref[0, :, 2 * p] = (t0 + bias[:, None]).reshape(8, 8, 128)
            o_ref[0, :, 2 * p + 1] = (t1 + bias[:, None]).reshape(8, 8, 128)


def kernel(x_num, x_cat, W_num, b_num, table, cat_bias):
    mesh = plsc.VectorSubcoreMesh(core_axis_name="c", subcore_axis_name="s")
    sc_run = pl.kernel(
        _sc_body,
        out_type=jax.ShapeDtypeStruct((_N_CAT * _BATCH, _D), jnp.float32),
        mesh=mesh,
        compiler_params=pltpu.CompilerParams(use_tc_tiling_on_sc=False),
        scratch_types=[
            pltpu.VMEM((_N_CAT, _RPT), jnp.int32),
            pltpu.VMEM((_RPT, _D), jnp.float32),
            pltpu.VMEM((_RPT, _D), jnp.float32),
            pltpu.SemaphoreType.DMA,
            pltpu.SemaphoreType.DMA,
        ],
    )
    perm = jnp.asarray(np.arange(128) // 2 + 64 * (np.arange(128) % 2),
                       dtype=jnp.int32)
    xcp = (x_cat.T.reshape(_N_CAT, _BATCH // 128, 128)[:, :, perm]
           .reshape(_N_CAT, _BATCH))
    g = sc_run(xcp, table)
    g8 = g.reshape(_N_CAT, _BATCH * _D // 1024, 8, 128)

    nbb = _BATCH // 128
    out5 = pl.pallas_call(
        _tc_body,
        grid=(_NF, nbb // _BB),
        in_specs=[
            pl.BlockSpec((1, 8 * _BB, 8, 128),
                         lambda f, b: (jnp.maximum(f - _N_NUM, 0), b, 0, 0)),
            pl.BlockSpec((1, 1, 128 * _BB),
                         lambda f, b: (jnp.minimum(f, _N_NUM - 1), 0, b)),
            pl.BlockSpec((1, 1, _D),
                         lambda f, b: (jnp.minimum(f, _N_NUM - 1), 0, 0)),
            pl.BlockSpec((1, 1, _D),
                         lambda f, b: (jnp.minimum(f, _N_NUM - 1), 0, 0)),
            pl.BlockSpec((1, 1, _D),
                         lambda f, b: (jnp.maximum(f - _N_NUM, 0), 0, 0)),
        ],
        out_specs=pl.BlockSpec((1, 8, _BB, 8, 128),
                               lambda f, b: (f, 0, b, 0, 0)),
        out_shape=jax.ShapeDtypeStruct((_NF, 8, nbb, 8, 128), jnp.float32),
    )(g8,
      x_num.T.reshape(_N_NUM, 1, _BATCH),
      W_num.reshape(_N_NUM, 1, _D),
      b_num.reshape(_N_NUM, 1, _D),
      cat_bias.reshape(_N_CAT, 1, _D))

    return (out5.reshape(_NF, 8, 128, 8, 128)
                .transpose(2, 4, 0, 1, 3)
                .reshape(_BATCH, _NF, _D))

# --- scband reference (transcript-rebuilt; emitter-appended) ---
"""Pipeline reference for scband-feature-tokenizer-27685359190773 (READ-ONLY COPY).

The authoritative reference and input builder live on the scoring server;
editing this copy changes nothing except your own understanding.
"""

import jax, jax.numpy as jnp
import numpy as np

CARDS = [100000] * 26
N_NUM = 13
D_TOKEN = 64
BATCH = 16384
TOTAL_ROWS = sum(CARDS)


def setup_inputs(seed: int = 0) -> dict:
    key = jax.random.key(seed)
    ks = jax.random.split(key, 6)
    s = 1.0 / np.sqrt(D_TOKEN)
    x_num = jax.random.normal(ks[0], (BATCH, N_NUM), dtype=jnp.float32)
    x_cat = jax.random.randint(ks[1], (BATCH, len(CARDS)), 0, 100000, dtype=jnp.int32)
    W_num = jax.random.uniform(ks[2], (N_NUM, D_TOKEN), dtype=jnp.float32, minval=-s, maxval=s)
    b_num = jax.random.uniform(ks[3], (N_NUM, D_TOKEN), dtype=jnp.float32, minval=-s, maxval=s)
    table = jax.random.uniform(ks[4], (TOTAL_ROWS, D_TOKEN), dtype=jnp.float32, minval=-s, maxval=s)
    cat_bias = jax.random.uniform(ks[5], (len(CARDS), D_TOKEN), dtype=jnp.float32, minval=-s, maxval=s)
    return {"x_num": x_num, "x_cat": x_cat, "W_num": W_num, "b_num": b_num, "table": table, "cat_bias": cat_bias}


def reference(x_num, x_cat, W_num, b_num, table, cat_bias):
    # NumericalFeatureTokenizer: per-feature scale + bias -> tokens
    out_num = W_num[None] * x_num[..., None] + b_num[None]
    # CategoricalFeatureTokenizer: offset indices into a fused embedding table
    offsets = jnp.asarray(np.concatenate([[0], np.cumsum(CARDS[:-1])]), dtype=x_cat.dtype)
    idx = x_cat + offsets[None]
    out_cat = jnp.take(table, idx, axis=0) + cat_bias[None]
    # FeatureTokenizer: concat numerical and categorical tokens along feature axis
    return jnp.concatenate([out_num, out_cat], axis=1)

if __name__ == "__main__":
    import jax
    _d = setup_inputs()
    print(jax.jit(kernel)(*tuple(_d.values())))

</pallas_src>

<mosaic_0001>
#map = affine_map<(d0, d1) -> (0, 0)>
module attributes {stable_mosaic.version = 14 : i64} {
  func.func @_sc_body(%arg0: i32, %arg1: i32, %arg2: memref<26x16384xi32, #tpu.memory_space<hbm>>, %arg3: memref<2600000x64xf32, #tpu.memory_space<hbm>>, %arg4: memref<425984x64xf32, #tpu.memory_space<hbm>>, %arg5: memref<26x512xi32, #tpu.memory_space<vmem>>, %arg6: memref<512x64xf32, #tpu.memory_space<vmem>>, %arg7: memref<512x64xf32, #tpu.memory_space<vmem>>, %arg8: memref<!tpu.dma_semaphore, #tpu.memory_space<semaphore_mem>>, %arg9: memref<!tpu.dma_semaphore, #tpu.memory_space<semaphore_mem>>) attributes {dimension_semantics = [#tpu.dimension_semantics<core_parallel>, #tpu.dimension_semantics<subcore_parallel>], iteration_bounds = array<i64: 2, 16>, scalar_prefetch = 0 : i64, scratch_operands = 5 : i64, tpu.core_type = #tpu.core_type<sc_vector_subcore>, window_params = [{transform_indices = #map}, {transform_indices = #map}, {transform_indices = #map}]} {
    %mul3A = arith.constant 2 : i32
    %mul3A_0 = arith.muli %arg1, %mul3A : i32
    %add3A = arith.addi %mul3A_0, %arg0 : i32
    %mul3A_1 = arith.constant 512 : i32
    %mul3A_2 = arith.muli %add3A, %mul3A_1 : i32
    "tpu.region"() ({
      %run_scoped3A = tpu.sem_alloc : memref<!tpu.dma_semaphore, #tpu.memory_space<semaphore_mem>>
      %dma_start3A_53 = arith.constant 0 : i32
      %dma_start3A_54 = tpu.memref_slice %arg2[%dma_start3A_53, %mul3A_2] : memref<26x16384xi32, #tpu.memory_space<hbm>> -> memref<26x512xi32, #tpu.memory_space<hbm>>
      %dma_start3A_55 = arith.constant 0 : i32
      %dma_start3A_56 = tpu.memref_slice %arg2[%dma_start3A_55, %mul3A_2] : memref<26x16384xi32, #tpu.memory_space<hbm>> -> memref<26x512xi32, #tpu.memory_space<hbm>>
      tpu.enqueue_dma source(%dma_start3A_56 : memref<26x512xi32, #tpu.memory_space<hbm>>) target(%arg5 : memref<26x512xi32, #tpu.memory_space<vmem>>) target_semaphore(%run_scoped3A : memref<!tpu.dma_semaphore, #tpu.memory_space<semaphore_mem>>)
      %dma_wait3A = arith.constant 0 : i32
      %dma_wait3A_57 = tpu.memref_slice %arg2[%dma_wait3A, %mul3A_2] : memref<26x16384xi32, #tpu.memory_space<hbm>> -> memref<26x512xi32, #tpu.memory_space<hbm>>
      %dma_wait3A_58 = arith.constant 0 : i32
      %dma_wait3A_59 = tpu.memref_slice %arg2[%dma_wait3A_58, %mul3A_2] : memref<26x16384xi32, #tpu.memory_space<hbm>> -> memref<26x512xi32, #tpu.memory_space<hbm>>
      tpu.wait_dma2 semaphore(%run_scoped3A : memref<!tpu.dma_semaphore, #tpu.memory_space<semaphore_mem>>) src(%dma_wait3A_59 : memref<26x512xi32, #tpu.memory_space<hbm>>) dst(%arg5 : memref<26x512xi32, #tpu.memory_space<vmem>>)
      tpu.yield
    }) : () -> ()
    %scan3A = arith.constant 0 : i32
    %scan3A_3 = arith.constant 0 : i32
    %scan3A_4 = arith.constant 32 : i32
    %scan3A_5 = arith.addi %scan3A_3, %scan3A_4 : i32
    %scan3A_6 = arith.constant 1 : i32
    scf.for %scan3A_53 = %scan3A_3 to %scan3A_5 step %scan3A_6  : i32 {
      %mul3A_54 = arith.constant 16 : i32
      %mul3A_55 = arith.muli %scan3A_53, %mul3A_54 : i32
      %get3A = arith.constant 0 : i32
      %get3A_56 = arith.index_cast %get3A : i32 to index
      %get3A_57 = arith.index_cast %mul3A_55 : i32 to index
      %get3A_58 = tpu.vector_load %arg5[%get3A_56, %get3A_57] {strides = array<i32>} : memref<26x512xi32, #tpu.memory_space<vmem>>, vector<1x16xi32>,
      %get3A_59 = vector.shape_cast %get3A_58 : vector<1x16xi32> to vector<16xi32>
      %add3A_60 = arith.constant 0 : i32
      %add3A_61 = vector.broadcast %add3A_60 : i32 to vector<16xi32>
      %add3A_62 = arith.addi %get3A_59, %add3A_61 : vector<16xi32>
      %mul3A_63 = arith.constant 16 : i32
      %mul3A_64 = arith.muli %scan3A_53, %mul3A_63 : i32
      %swap3A = arith.constant 0 : i32
      %swap3A_65 = arith.index_cast %swap3A : i32 to index
      %swap3A_66 = arith.index_cast %mul3A_64 : i32 to index
      %swap3A_67 = tpu.vector_load %arg5[%swap3A_65, %swap3A_66] {strides = array<i32>} : memref<26x512xi32, #tpu.memory_space<vmem>>, vector<1x16xi32>,
      %swap3A_68 = vector.shape_cast %swap3A_67 : vector<1x16xi32> to vector<16xi32>
      %swap3A_69 = vector.shape_cast %add3A_62 : vector<16xi32> to vector<1x16xi32>
      tpu.vector_store %arg5[%swap3A_65, %swap3A_66], %swap3A_69 {strides = array<i32>} : memref<26x512xi32, #tpu.memory_space<vmem>>, vector<1x16xi32>,
      %mul3A_70 = arith.constant 16 : i32
      %mul3A_71 = arith.muli %scan3A_53, %mul3A_70 : i32
      %get3A_72 = arith.constant 1 : i32
      %get3A_73 = arith.index_cast %get3A_72 : i32 to index
      %get3A_74 = arith.index_cast %mul3A_71 : i32 to index
      %get3A_75 = tpu.vector_load %arg5[%get3A_73, %get3A_74] {strides = array<i32>} : memref<26x512xi32, #tpu.memory_space<vmem>>, vector<1x16xi32>,
      %get3A_76 = vector.shape_cast %get3A_75 : vector<1x16xi32> to vector<16xi32>
      %add3A_77 = arith.constant 100000 : i32
      %add3A_78 = vector.broadcast %add3A_77 : i32 to vector<16xi32>
      %add3A_79 = arith.addi %get3A_76, %add3A_78 : vector<16xi32>
      %mul3A_80 = arith.constant 16 : i32
      %mul3A_81 = arith.muli %scan3A_53, %mul3A_80 : i32
      %swap3A_82 = arith.constant 1 : i32
      %swap3A_83 = arith.index_cast %swap3A_82 : i32 to index
      %swap3A_84 = arith.index_cast %mul3A_81 : i32 to index
      %swap3A_85 = tpu.vector_load %arg5[%swap3A_83, %swap3A_84] {strides = array<i32>} : memref<26x512xi32, #tpu.memory_space<vmem>>, vector<1x16xi32>,
      %swap3A_86 = vector.shape_cast %swap3A_85 : vector<1x16xi32> to vector<16xi32>
      %swap3A_87 = vector.shape_cast %add3A_79 : vector<16xi32> to vector<1x16xi32>
      tpu.vector_store %arg5[%swap3A_83, %swap3A_84], %swap3A_87 {strides = array<i32>} : memref<26x512xi32, #tpu.memory_space<vmem>>, vector<1x16xi32>,
      %mul3A_88 = arith.constant 16 : i32
      %mul3A_89 = arith.muli %scan3A_53, %mul3A_88 : i32
      %get3A_90 = arith.constant 2 : i32
      %get3A_91 = arith.index_cast %get3A_90 : i32 to index
      %get3A_92 = arith.index_cast %mul3A_89 : i32 to index
      %get3A_93 = tpu.vector_load %arg5[%get3A_91, %get3A_92] {strides = array<i32>} : memref<26x512xi32, #tpu.memory_space<vmem>>, vector<1x16xi32>,
      %get3A_94 = vector.shape_cast %get3A_93 : vector<1x16xi32> to vector<16xi32>
      %add3A_95 = arith.constant 200000 : i32
      %add3A_96 = vector.broadcast %add3A_95 : i32 to vector<16xi32>
      %add3A_97 = arith.addi %get3A_94, %add3A_96 : vector<16xi32>
      %mul3A_98 = arith.constant 16 : i32
      %mul3A_99 = arith.muli %scan3A_53, %mul3A_98 : i32
      %swap3A_100 = arith.constant 2 : i32
      %swap3A_101 = arith.index_cast %swap3A_100 : i32 to index
      %swap3A_102 = arith.index_cast %mul3A_99 : i32 to index
      %swap3A_103 = tpu.vector_load %arg5[%swap3A_101, %swap3A_102] {strides = array<i32>} : memref<26x512xi32, #tpu.memory_space<vmem>>, vector<1x16xi32>,
      %swap3A_104 = vector.shape_cast %swap3A_103 : vector<1x16xi32> to vector<16xi32>
      %swap3A_105 = vector.shape_cast %add3A_97 : vector<16xi32> to vector<1x16xi32>
      tpu.vector_store %arg5[%swap3A_101, %swap3A_102], %swap3A_105 {strides = array<i32>} : memref<26x512xi32, #tpu.memory_space<vmem>>, vector<1x16xi32>,
      %mul3A_106 = arith.constant 16 : i32
      %mul3A_107 = arith.muli %scan3A_53, %mul3A_106 : i32
      %get3A_108 = arith.constant 3 : i32
      %get3A_109 = arith.index_cast %get3A_108 : i32 to index
      %get3A_110 = arith.index_cast %mul3A_107 : i32 to index
      %get3A_111 = tpu.vector_load %arg5[%get3A_109, %get3A_110] {strides = array<i32>} : memref<26x512xi32, #tpu.memory_space<vmem>>, vector<1x16xi32>,
      %get3A_112 = vector.shape_cast %get3A_111 : vector<1x16xi32> to vector<16xi32>
      %add3A_113 = arith.constant 300000 : i32
      %add3A_114 = vector.broadcast %add3A_113 : i32 to vector<16xi32>
      %add3A_115 = arith.addi %get3A_112, %add3A_114 : vector<16xi32>
      %mul3A_116 = arith.constant 16 : i32
      %mul3A_117 = arith.muli %scan3A_53, %mul3A_116 : i32
      %swap3A_118 = arith.constant 3 : i32
      %swap3A_119 = arith.index_cast %swap3A_118 : i32 to index
      %swap3A_120 = arith.index_cast %mul3A_117 : i32 to index
      %swap3A_121 = tpu.vector_load %arg5[%swap3A_119, %swap3A_120] {strides = array<i32>} : memref<26x512xi32, #tpu.memory_space<vmem>>, vector<1x16xi32>,
      %swap3A_122 = vector.shape_cast %swap3A_121 : vector<1x16xi32> to vector<16xi32>
      %swap3A_123 = vector.shape_cast %add3A_115 : vector<16xi32> to vector<1x16xi32>
      tpu.vector_store %arg5[%swap3A_119, %swap3A_120], %swap3A_123 {strides = array<i32>} : memref<26x512xi32, #tpu.memory_space<vmem>>, vector<1x16xi32>,
      %mul3A_124 = arith.constant 16 : i32
      %mul3A_125 = arith.muli %scan3A_53, %mul3A_124 : i32
      %get3A_126 = arith.constant 4 : i32
      %get3A_127 = arith.index_cast %get3A_126 : i32 to index
      %get3A_128 = arith.index_cast %mul3A_125 : i32 to index
      %get3A_129 = tpu.vector_load %arg5[%get3A_127, %get3A_128] {strides = array<i32>} : memref<26x512xi32, #tpu.memory_space<vmem>>, vector<1x16xi32>,
      %get3A_130 = vector.shape_cast %get3A_129 : vector<1x16xi32> to vector<16xi32>
      %add3A_131 = arith.constant 400000 : i32
      %add3A_132 = vector.broadcast %add3A_131 : i32 to vector<16xi32>
      %add3A_133 = arith.addi %get3A_130, %add3A_132 : vector<16xi32>
      %mul3A_134 = arith.constant 16 : i32
      %mul3A_135 = arith.muli %scan3A_53, %mul3A_134 : i32
      %swap3A_136 = arith.constant 4 : i32
      %swap3A_137 = arith.index_cast %swap3A_136 : i32 to index
      %swap3A_138 = arith.index_cast %mul3A_135 : i32 to index
      %swap3A_139 = tpu.vector_load %arg5[%swap3A_137, %swap3A_138] {strides = array<i32>} : memref<26x512xi32, #tpu.memory_space<vmem>>, vector<1x16xi32>,
      %swap3A_140 = vector.shape_cast %swap3A_139 : vector<1x16xi32> to vector<16xi32>
      %swap3A_141 = vector.shape_cast %add3A_133 : vector<16xi32> to vector<1x16xi32>
      tpu.vector_store %arg5[%swap3A_137, %swap3A_138], %swap3A_141 {strides = array<i32>} : memref<26x512xi32, #tpu.memory_space<vmem>>, vector<1x16xi32>,
      %mul3A_142 = arith.constant 16 : i32
      %mul3A_143 = arith.muli %scan3A_53, %mul3A_142 : i32
      %get3A_144 = arith.constant 5 : i32
      %get3A_145 = arith.index_cast %get3A_144 : i32 to index
      %get3A_146 = arith.index_cast %mul3A_143 : i32 to index
      %get3A_147 = tpu.vector_load %arg5[%get3A_145, %get3A_146] {strides = array<i32>} : memref<26x512xi32, #tpu.memory_space<vmem>>, vector<1x16xi32>,
      %get3A_148 = vector.shape_cast %get3A_147 : vector<1x16xi32> to vector<16xi32>
      %add3A_149 = arith.constant 500000 : i32
      %add3A_150 = vector.broadcast %add3A_149 : i32 to vector<16xi32>
      %add3A_151 = arith.addi %get3A_148, %add3A_150 : vector<16xi32>
      %mul3A_152 = arith.constant 16 : i32
      %mul3A_153 = arith.muli %scan3A_53, %mul3A_152 : i32
      %swap3A_154 = arith.constant 5 : i32
      %swap3A_155 = arith.index_cast %swap3A_154 : i32 to index
      %swap3A_156 = arith.index_cast %mul3A_153 : i32 to index
      %swap3A_157 = tpu.vector_load %arg5[%swap3A_155, %swap3A_156] {strides = array<i32>} : memref<26x512xi32, #tpu.memory_space<vmem>>, vector<1x16xi32>,
      %swap3A_158 = vector.shape_cast %swap3A_157 : vector<1x16xi32> to vector<16xi32>
      %swap3A_159 = vector.shape_cast %add3A_151 : vector<16xi32> to vector<1x16xi32>
      tpu.vector_store %arg5[%swap3A_155, %swap3A_156], %swap3A_159 {strides = array<i32>} : memref<26x512xi32, #tpu.memory_space<vmem>>, vector<1x16xi32>,
      %mul3A_160 = arith.constant 16 : i32
      %mul3A_161 = arith.muli %scan3A_53, %mul3A_160 : i32
      %get3A_162 = arith.constant 6 : i32
      %get3A_163 = arith.index_cast %get3A_162 : i32 to index
      %get3A_164 = arith.index_cast %mul3A_161 : i32 to index
      %get3A_165 = tpu.vector_load %arg5[%get3A_163, %get3A_164] {strides = array<i32>} : memref<26x512xi32, #tpu.memory_space<vmem>>, vector<1x16xi32>,
      %get3A_166 = vector.shape_cast %get3A_165 : vector<1x16xi32> to vector<16xi32>
      %add3A_167 = arith.constant 600000 : i32
      %add3A_168 = vector.broadcast %add3A_167 : i32 to vector<16xi32>
      %add3A_169 = arith.addi %get3A_166, %add3A_168 : vector<16xi32>
      %mul3A_170 = arith.constant 16 : i32
      %mul3A_171 = arith.muli %scan3A_53, %mul3A_170 : i32
      %swap3A_172 = arith.constant 6 : i32
      %swap3A_173 = arith.index_cast %swap3A_172 : i32 to index
      %swap3A_174 = arith.index_cast %mul3A_171 : i32 to index
      %swap3A_175 = tpu.vector_load %arg5[%swap3A_173, %swap3A_174] {strides = array<i32>} : memref<26x512xi32, #tpu.memory_space<vmem>>, vector<1x16xi32>,
      %swap3A_176 = vector.shape_cast %swap3A_175 : vector<1x16xi32> to vector<16xi32>
      %swap3A_177 = vector.shape_cast %add3A_169 : vector<16xi32> to vector<1x16xi32>
      tpu.vector_store %arg5[%swap3A_173, %swap3A_174], %swap3A_177 {strides = array<i32>} : memref<26x512xi32, #tpu.memory_space<vmem>>, vector<1x16xi32>,
      %mul3A_178 = arith.constant 16 : i32
      %mul3A_179 = arith.muli %scan3A_53, %mul3A_178 : i32
      %get3A_180 = arith.constant 7 : i32
      %get3A_181 = arith.index_cast %get3A_180 : i32 to index
      %get3A_182 = arith.index_cast %mul3A_179 : i32 to index
      %get3A_183 = tpu.vector_load %arg5[%get3A_181, %get3A_182] {strides = array<i32>} : memref<26x512xi32, #tpu.memory_space<vmem>>, vector<1x16xi32>,
      %get3A_184 = vector.shape_cast %get3A_183 : vector<1x16xi32> to vector<16xi32>
      %add3A_185 = arith.constant 700000 : i32
      %add3A_186 = vector.broadcast %add3A_185 : i32 to vector<16xi32>
      %add3A_187 = arith.addi %get3A_184, %add3A_186 : vector<16xi32>
      %mul3A_188 = arith.constant 16 : i32
      %mul3A_189 = arith.muli %scan3A_53, %mul3A_188 : i32
      %swap3A_190 = arith.constant 7 : i32
      %swap3A_191 = arith.index_cast %swap3A_190 : i32 to index
      %swap3A_192 = arith.index_cast %mul3A_189 : i32 to index
      %swap3A_193 = tpu.vector_load %arg5[%swap3A_191, %swap3A_192] {strides = array<i32>} : memref<26x512xi32, #tpu.memory_space<vmem>>, vector<1x16xi32>,
      %swap3A_194 = vector.shape_cast %swap3A_193 : vector<1x16xi32> to vector<16xi32>
      %swap3A_195 = vector.shape_cast %add3A_187 : vector<16xi32> to vector<1x16xi32>
      tpu.vector_store %arg5[%swap3A_191, %swap3A_192], %swap3A_195 {strides = array<i32>} : memref<26x512xi32, #tpu.memory_space<vmem>>, vector<1x16xi32>,
      %mul3A_196 = arith.constant 16 : i32
      %mul3A_197 = arith.muli %scan3A_53, %mul3A_196 : i32
      %get3A_198 = arith.constant 8 : i32
      %get3A_199 = arith.index_cast %get3A_198 : i32 to index
      %get3A_200 = arith.index_cast %mul3A_197 : i32 to index
      %get3A_201 = tpu.vector_load %arg5[%get3A_199, %get3A_200] {strides = array<i32>} : memref<26x512xi32, #tpu.memory_space<vmem>>, vector<1x16xi32>,
      %get3A_202 = vector.shape_cast %get3A_201 : vector<1x16xi32> to vector<16xi32>
      %add3A_203 = arith.constant 800000 : i32
      %add3A_204 = vector.broadcast %add3A_203 : i32 to vector<16xi32>
      %add3A_205 = arith.addi %get3A_202, %add3A_204 : vector<16xi32>
      %mul3A_206 = arith.constant 16 : i32
      %mul3A_207 = arith.muli %scan3A_53, %mul3A_206 : i32
      %swap3A_208 = arith.constant 8 : i32
      %swap3A_209 = arith.index_cast %swap3A_208 : i32 to index
      %swap3A_210 = arith.index_cast %mul3A_207 : i32 to index
      %swap3A_211 = tpu.vector_load %arg5[%swap3A_209, %swap3A_210] {strides = array<i32>} : memref<26x512xi32, #tpu.memory_space<vmem>>, vector<1x16xi32>,
      %swap3A_212 = vector.shape_cast %swap3A_211 : vector<1x16xi32> to vector<16xi32>
      %swap3A_213 = vector.shape_cast %add3A_205 : vector<16xi32> to vector<1x16xi32>
      tpu.vector_store %arg5[%swap3A_209, %swap3A_210], %swap3A_213 {strides = array<i32>} : memref<26x512xi32, #tpu.memory_space<vmem>>, vector<1x16xi32>,
      %mul3A_214 = arith.constant 16 : i32
      %mul3A_215 = arith.muli %scan3A_53, %mul3A_214 : i32
      %get3A_216 = arith.constant 9 : i32
      %get3A_217 = arith.index_cast %get3A_216 : i32 to index
      %get3A_218 = arith.index_cast %mul3A_215 : i32 to index
      %get3A_219 = tpu.vector_load %arg5[%get3A_217, %get3A_218] {strides = array<i32>} : memref<26x512xi32, #tpu.memory_space<vmem>>, vector<1x16xi32>,
      %get3A_220 = vector.shape_cast %get3A_219 : vector<1x16xi32> to vector<16xi32>
      %add3A_221 = arith.constant 900000 : i32
      %add3A_222 = vector.broadcast %add3A_221 : i32 to vector<16xi32>
      %add3A_223 = arith.addi %get3A_220, %add3A_222 : vector<16xi32>
      %mul3A_224 = arith.constant 16 : i32
      %mul3A_225 = arith.muli %scan3A_53, %mul3A_224 : i32
      %swap3A_226 = arith.constant 9 : i32
      %swap3A_227 = arith.index_cast %swap3A_226 : i32 to index
      %swap3A_228 = arith.index_cast %mul3A_225 : i32 to index
      %swap3A_229 = tpu.vector_load %arg5[%swap3A_227, %swap3A_228] {strides = array<i32>} : memref<26x512xi32, #tpu.memory_space<vmem>>, vector<1x16xi32>,
      %swap3A_230 = vector.shape_cast %swap3A_229 : vector<1x16xi32> to vector<16xi32>
      %swap3A_231 = vector.shape_cast %add3A_223 : vector<16xi32> to vector<1x16xi32>
      tpu.vector_store %arg5[%swap3A_227, %swap3A_228], %swap3A_231 {strides = array<i32>} : memref<26x512xi32, #tpu.memory_space<vmem>>, vector<1x16xi32>,
      %mul3A_232 = arith.constant 16 : i32
      %mul3A_233 = arith.muli %scan3A_53, %mul3A_232 : i32
      %get3A_234 = arith.constant 10 : i32
      %get3A_235 = arith.index_cast %get3A_234 : i32 to index
      %get3A_236 = arith.index_cast %mul3A_233 : i32 to index
      %get3A_237 = tpu.vector_load %arg5[%get3A_235, %get3A_236] {strides = array<i32>} : memref<26x512xi32, #tpu.memory_space<vmem>>, vector<1x16xi32>,
      %get3A_238 = vector.shape_cast %get3A_237 : vector<1x16xi32> to vector<16xi32>
      %add3A_239 = arith.constant 1000000 : i32
      %add3A_240 = vector.broadcast %add3A_239 : i32 to vector<16xi32>
      %add3A_241 = arith.addi %get3A_238, %add3A_240 : vector<16xi32>
      %mul3A_242 = arith.constant 16 : i32
      %mul3A_243 = arith.muli %scan3A_53, %mul3A_242 : i32
      %swap3A_244 = arith.constant 10 : i32
      %swap3A_245 = arith.index_cast %swap3A_244 : i32 to index
      %swap3A_246 = arith.index_cast %mul3A_243 : i32 to index
      %swap3A_247 = tpu.vector_load %arg5[%swap3A_245, %swap3A_246] {strides = array<i32>} : memref<26x512xi32, #tpu.memory_space<vmem>>, vector<1x16xi32>,
      %swap3A_248 = vector.shape_cast %swap3A_247 : vector<1x16xi32> to vector<16xi32>
      %swap3A_249 = vector.shape_cast %add3A_241 : vector<16xi32> to vector<1x16xi32>
      tpu.vector_store %arg5[%swap3A_245, %swap3A_246], %swap3A_249 {strides = array<i32>} : memref<26x512xi32, #tpu.memory_space<vmem>>, vector<1x16xi32>,
      %mul3A_250 = arith.constant 16 : i32
      %mul3A_251 = arith.muli %scan3A_53, %mul3A_250 : i32
      %get3A_252 = arith.constant 11 : i32
      %get3A_253 = arith.index_cast %get3A_252 : i32 to index
      %get3A_254 = arith.index_cast %mul3A_251 : i32 to index
      %get3A_255 = tpu.vector_load %arg5[%get3A_253, %get3A_254] {strides = array<i32>} : memref<26x512xi32, #tpu.memory_space<vmem>>, vector<1x16xi32>,
      %get3A_256 = vector.shape_cast %get3A_255 : vector<1x16xi32> to vector<16xi32>
      %add3A_257 = arith.constant 1100000 : i32
      %add3A_258 = vector.broadcast %add3A_257 : i32 to vector<16xi32>
      %add3A_259 = arith.addi %get3A_256, %add3A_258 : vector<16xi32>
      %mul3A_260 = arith.constant 16 : i32
      %mul3A_261 = arith.muli %scan3A_53, %mul3A_260 : i32
      %swap3A_262 = arith.constant 11 : i32
      %swap3A_263 = arith.index_cast %swap3A_262 : i32 to index
      %swap3A_264 = arith.index_cast %mul3A_261 : i32 to index
      %swap3A_265 = tpu.vector_load %arg5[%swap3A_263, %swap3A_264] {strides = array<i32>} : memref<26x512xi32, #tpu.memory_space<vmem>>, vector<1x16xi32>,
      %swap3A_266 = vector.shape_cast %swap3A_265 : vector<1x16xi32> to vector<16xi32>
      %swap3A_267 = vector.shape_cast %add3A_259 : vector<16xi32> to vector<1x16xi32>
      tpu.vector_store %arg5[%swap3A_263, %swap3A_264], %swap3A_267 {strides = array<i32>} : memref<26x512xi32, #tpu.memory_space<vmem>>, vector<1x16xi32>,
      %mul3A_268 = arith.constant 16 : i32
      %mul3A_269 = arith.muli %scan3A_53, %mul3A_268 : i32
      %get3A_270 = arith.constant 12 : i32
      %get3A_271 = arith.index_cast %get3A_270 : i32 to index
      %get3A_272 = arith.index_cast %mul3A_269 : i32 to index
      %get3A_273 = tpu.vector_load %arg5[%get3A_271, %get3A_272] {strides = array<i32>} : memref<26x512xi32, #tpu.memory_space<vmem>>, vector<1x16xi32>,
      %get3A_274 = vector.shape_cast %get3A_273 : vector<1x16xi32> to vector<16xi32>
      %add3A_275 = arith.constant 1200000 : i32
      %add3A_276 = vector.broadcast %add3A_275 : i32 to vector<16xi32>
      %add3A_277 = arith.addi %get3A_274, %add3A_276 : vector<16xi32>
      %mul3A_278 = arith.constant 16 : i32
      %mul3A_279 = arith.muli %scan3A_53, %mul3A_278 : i32
      %swap3A_280 = arith.constant 12 : i32
      %swap3A_281 = arith.index_cast %swap3A_280 : i32 to index
      %swap3A_282 = arith.index_cast %mul3A_279 : i32 to index
      %swap3A_283 = tpu.vector_load %arg5[%swap3A_281, %swap3A_282] {strides = array<i32>} : memref<26x512xi32, #tpu.memory_space<vmem>>, vector<1x16xi32>,
      %swap3A_284 = vector.shape_cast %swap3A_283 : vector<1x16xi32> to vector<16xi32>
      %swap3A_285 = vector.shape_cast %add3A_277 : vector<16xi32> to vector<1x16xi32>
      tpu.vector_store %arg5[%swap3A_281, %swap3A_282], %swap3A_285 {strides = array<i32>} : memref<26x512xi32, #tpu.memory_space<vmem>>, vector<1x16xi32>,
      %mul3A_286 = arith.constant 16 : i32
      %mul3A_287 = arith.muli %scan3A_53, %mul3A_286 : i32
      %get3A_288 = arith.constant 13 : i32
      %get3A_289 = arith.index_cast %get3A_288 : i32 to index
      %get3A_290 = arith.index_cast %mul3A_287 : i32 to index
      %get3A_291 = tpu.vector_load %arg5[%get3A_289, %get3A_290] {strides = array<i32>} : memref<26x512xi32, #tpu.memory_space<vmem>>, vector<1x16xi32>,
      %get3A_292 = vector.shape_cast %get3A_291 : vector<1x16xi32> to vector<16xi32>
      %add3A_293 = arith.constant 1300000 : i32
      %add3A_294 = vector.broadcast %add3A_293 : i32 to vector<16xi32>
      %add3A_295 = arith.addi %get3A_292, %add3A_294 : vector<16xi32>
      %mul3A_296 = arith.constant 16 : i32
      %mul3A_297 = arith.muli %scan3A_53, %mul3A_296 : i32
      %swap3A_298 = arith.constant 13 : i32
      %swap3A_299 = arith.index_cast %swap3A_298 : i32 to index
      %swap3A_300 = arith.index_cast %mul3A_297 : i32 to index
      %swap3A_301 = tpu.vector_load %arg5[%swap3A_299, %swap3A_300] {strides = array<i32>} : memref<26x512xi32, #tpu.memory_space<vmem>>, vector<1x16xi32>,
      %swap3A_302 = vector.shape_cast %swap3A_301 : vector<1x16xi32> to vector<16xi32>
      %swap3A_303 = vector.shape_cast %add3A_295 : vector<16xi32> to vector<1x16xi32>
      tpu.vector_store %arg5[%swap3A_299, %swap3A_300], %swap3A_303 {strides = array<i32>} : memref<26x512xi32, #tpu.memory_space<vmem>>, vector<1x16xi32>,
      %mul3A_304 = arith.constant 16 : i32
      %mul3A_305 = arith.muli %scan3A_53, %mul3A_304 : i32
      %get3A_306 = arith.constant 14 : i32
      %get3A_307 = arith.index_cast %get3A_306 : i32 to index
      %get3A_308 = arith.index_cast %mul3A_305 : i32 to index
      %get3A_309 = tpu.vector_load %arg5[%get3A_307, %get3A_308] {strides = array<i32>} : memref<26x512xi32, #tpu.memory_space<vmem>>, vector<1x16xi32>,
      %get3A_310 = vector.shape_cast %get3A_309 : vector<1x16xi32> to vector<16xi32>
      %add3A_311 = arith.constant 1400000 : i32
      %add3A_312 = vector.broadcast %add3A_311 : i32 to vector<16xi32>
      %add3A_313 = arith.addi %get3A_310, %add3A_312 : vector<16xi32>
      %mul3A_314 = arith.constant 16 : i32
      %mul3A_315 = arith.muli %scan3A_53, %mul3A_314 : i32
      %swap3A_316 = arith.constant 14 : i32
      %swap3A_317 = arith.index_cast %swap3A_316 : i32 to index
      %swap3A_318 = arith.index_cast %mul3A_315 : i32 to index
      %swap3A_319 = tpu.vector_load %arg5[%swap3A_317, %swap3A_318] {strides = array<i32>} : memref<26x512xi32, #tpu.memory_space<vmem>>, vector<1x16xi32>,
      %swap3A_320 = vector.shape_cast %swap3A_319 : vector<1x16xi32> to vector<16xi32>
      %swap3A_321 = vector.shape_cast %add3A_313 : vector<16xi32> to vector<1x16xi32>
      tpu.vector_store %arg5[%swap3A_317, %swap3A_318], %swap3A_321 {strides = array<i32>} : memref<26x512xi32, #tpu.memory_space<vmem>>, vector<1x16xi32>,
      %mul3A_322 = arith.constant 16 : i32
      %mul3A_323 = arith.muli %scan3A_53, %mul3A_322 : i32
      %get3A_324 = arith.constant 15 : i32
      %get3A_325 = arith.index_cast %get3A_324 : i32 to index
      %get3A_326 = arith.index_cast %mul3A_323 : i32 to index
      %get3A_327 = tpu.vector_load %arg5[%get3A_325, %get3A_326] {strides = array<i32>} : memref<26x512xi32, #tpu.memory_space<vmem>>, vector<1x16xi32>,
      %get3A_328 = vector.shape_cast %get3A_327 : vector<1x16xi32> to vector<16xi32>
      %add3A_329 = arith.constant 1500000 : i32
      %add3A_330 = vector.broadcast %add3A_329 : i32 to vector<16xi32>
      %add3A_331 = arith.addi %get3A_328, %add3A_330 : vector<16xi32>
      %mul3A_332 = arith.constant 16 : i32
      %mul3A_333 = arith.muli %scan3A_53, %mul3A_332 : i32
      %swap3A_334 = arith.constant 15 : i32
      %swap3A_335 = arith.index_cast %swap3A_334 : i32 to index
      %swap3A_336 = arith.index_cast %mul3A_333 : i32 to index
      %swap3A_337 = tpu.vector_load %arg5[%swap3A_335, %swap3A_336] {strides = array<i32>} : memref<26x512xi32, #tpu.memory_space<vmem>>, vector<1x16xi32>,
      %swap3A_338 = vector.shape_cast %swap3A_337 : vector<1x16xi32> to vector<16xi32>
      %swap3A_339 = vector.shape_cast %add3A_331 : vector<16xi32> to vector<1x16xi32>
      tpu.vector_store %arg5[%swap3A_335, %swap3A_336], %swap3A_339 {strides = array<i32>} : memref<26x512xi32, #tpu.memory_space<vmem>>, vector<1x16xi32>,
      %mul3A_340 = arith.constant 16 : i32
      %mul3A_341 = arith.muli %scan3A_53, %mul3A_340 : i32
      %get3A_342 = arith.constant 16 : i32
      %get3A_343 = arith.index_cast %get3A_342 : i32 to index
      %get3A_344 = arith.index_cast %mul3A_341 : i32 to index
      %get3A_345 = tpu.vector_load %arg5[%get3A_343, %get3A_344] {strides = array<i32>} : memref<26x512xi32, #tpu.memory_space<vmem>>, vector<1x16xi32>,
      %get3A_346 = vector.shape_cast %get3A_345 : vector<1x16xi32> to vector<16xi32>
      %add3A_347 = arith.constant 1600000 : i32
      %add3A_348 = vector.broadcast %add3A_347 : i32 to vector<16xi32>
      %add3A_349 = arith.addi %get3A_346, %add3A_348 : vector<16xi32>
      %mul3A_350 = arith.constant 16 : i32
      %mul3A_351 = arith.muli %scan3A_53, %mul3A_350 : i32
      %swap3A_352 = arith.constant 16 : i32
      %swap3A_353 = arith.index_cast %swap3A_352 : i32 to index
      %swap3A_354 = arith.index_cast %mul3A_351 : i32 to index
      %swap3A_355 = tpu.vector_load %arg5[%swap3A_353, %swap3A_354] {strides = array<i32>} : memref<26x512xi32, #tpu.memory_space<vmem>>, vector<1x16xi32>,
      %swap3A_356 = vector.shape_cast %swap3A_355 : vector<1x16xi32> to vector<16xi32>
      %swap3A_357 = vector.shape_cast %add3A_349 : vector<16xi32> to vector<1x16xi32>
      tpu.vector_store %arg5[%swap3A_353, %swap3A_354], %swap3A_357 {strides = array<i32>} : memref<26x512xi32, #tpu.memory_space<vmem>>, vector<1x16xi32>,
      %mul3A_358 = arith.constant 16 : i32
      %mul3A_359 = arith.muli %scan3A_53, %mul3A_358 : i32
      %get3A_360 = arith.constant 17 : i32
      %get3A_361 = arith.index_cast %get3A_360 : i32 to index
      %get3A_362 = arith.index_cast %mul3A_359 : i32 to index
      %get3A_363 = tpu.vector_load %arg5[%get3A_361, %get3A_362] {strides = array<i32>} : memref<26x512xi32, #tpu.memory_space<vmem>>, vector<1x16xi32>,
      %get3A_364 = vector.shape_cast %get3A_363 : vector<1x16xi32> to vector<16xi32>
      %add3A_365 = arith.constant 1700000 : i32
      %add3A_366 = vector.broadcast %add3A_365 : i32 to vector<16xi32>
      %add3A_367 = arith.addi %get3A_364, %add3A_366 : vector<16xi32>
      %mul3A_368 = arith.constant 16 : i32
      %mul3A_369 = arith.muli %scan3A_53, %mul3A_368 : i32
      %swap3A_370 = arith.constant 17 : i32
      %swap3A_371 = arith.index_cast %swap3A_370 : i32 to index
      %swap3A_372 = arith.index_cast %mul3A_369 : i32 to index
      %swap3A_373 = tpu.vector_load %arg5[%swap3A_371, %swap3A_372] {strides = array<i32>} : memref<26x512xi32, #tpu.memory_space<vmem>>, vector<1x16xi32>,
      %swap3A_374 = vector.shape_cast %swap3A_373 : vector<1x16xi32> to vector<16xi32>
      %swap3A_375 = vector.shape_cast %add3A_367 : vector<16xi32> to vector<1x16xi32>
      tpu.vector_store %arg5[%swap3A_371, %swap3A_372], %swap3A_375 {strides = array<i32>} : memref<26x512xi32, #tpu.memory_space<vmem>>, vector<1x16xi32>,
      %mul3A_376 = arith.constant 16 : i32
      %mul3A_377 = arith.muli %scan3A_53, %mul3A_376 : i32
      %get3A_378 = arith.constant 18 : i32
      %get3A_379 = arith.index_cast %get3A_378 : i32 to index
      %get3A_380 = arith.index_cast %mul3A_377 : i32 to index
      %get3A_381 = tpu.vector_load %arg5[%get3A_379, %get3A_380] {strides = array<i32>} : memref<26x512xi32, #tpu.memory_space<vmem>>, vector<1x16xi32>,
      %get3A_382 = vector.shape_cast %get3A_381 : vector<1x16xi32> to vector<16xi32>
      %add3A_383 = arith.constant 1800000 : i32
      %add3A_384 = vector.broadcast %add3A_383 : i32 to vector<16xi32>
      %add3A_385 = arith.addi %get3A_382, %add3A_384 : vector<16xi32>
      %mul3A_386 = arith.constant 16 : i32
      %mul3A_387 = arith.muli %scan3A_53, %mul3A_386 : i32
      %swap3A_388 = arith.constant 18 : i32
      %swap3A_389 = arith.index_cast %swap3A_388 : i32 to index
      %swap3A_390 = arith.index_cast %mul3A_387 : i32 to index
      %swap3A_391 = tpu.vector_load %arg5[%swap3A_389, %swap3A_390] {strides = array<i32>} : memref<26x512xi32, #tpu.memory_space<vmem>>, vector<1x16xi32>,
      %swap3A_392 = vector.shape_cast %swap3A_391 : vector<1x16xi32> to vector<16xi32>
      %swap3A_393 = vector.shape_cast %add3A_385 : vector<16xi32> to vector<1x16xi32>
      tpu.vector_store %arg5[%swap3A_389, %swap3A_390], %swap3A_393 {strides = array<i32>} : memref<26x512xi32, #tpu.memory_space<vmem>>, vector<1x16xi32>,
      %mul3A_394 = arith.constant 16 : i32
      %mul3A_395 = arith.muli %scan3A_53, %mul3A_394 : i32
      %get3A_396 = arith.constant 19 : i32
      %get3A_397 = arith.index_cast %get3A_396 : i32 to index
      %get3A_398 = arith.index_cast %mul3A_395 : i32 to index
      %get3A_399 = tpu.vector_load %arg5[%get3A_397, %get3A_398] {strides = array<i32>} : memref<26x512xi32, #tpu.memory_space<vmem>>, vector<1x16xi32>,
      %get3A_400 = vector.shape_cast %get3A_399 : vector<1x16xi32> to vector<16xi32>
      %add3A_401 = arith.constant 1900000 : i32
      %add3A_402 = vector.broadcast %add3A_401 : i32 to vector<16xi32>
      %add3A_403 = arith.addi %get3A_400, %add3A_402 : vector<16xi32>
      %mul3A_404 = arith.constant 16 : i32
      %mul3A_405 = arith.muli %scan3A_53, %mul3A_404 : i32
      %swap3A_406 = arith.constant 19 : i32
      %swap3A_407 = arith.index_cast %swap3A_406 : i32 to index
      %swap3A_408 = arith.index_cast %mul3A_405 : i32 to index
      %swap3A_409 = tpu.vector_load %arg5[%swap3A_407, %swap3A_408] {strides = array<i32>} : memref<26x512xi32, #tpu.memory_space<vmem>>, vector<1x16xi32>,
      %swap3A_410 = vector.shape_cast %swap3A_409 : vector<1x16xi32> to vector<16xi32>
      %swap3A_411 = vector.shape_cast %add3A_403 : vector<16xi32> to vector<1x16xi32>
      tpu.vector_store %arg5[%swap3A_407, %swap3A_408], %swap3A_411 {strides = array<i32>} : memref<26x512xi32, #tpu.memory_space<vmem>>, vector<1x16xi32>,
      %mul3A_412 = arith.constant 16 : i32
      %mul3A_413 = arith.muli %scan3A_53, %mul3A_412 : i32
      %get3A_414 = arith.constant 20 : i32
      %get3A_415 = arith.index_cast %get3A_414 : i32 to index
      %get3A_416 = arith.index_cast %mul3A_413 : i32 to index
      %get3A_417 = tpu.vector_load %arg5[%get3A_415, %get3A_416] {strides = array<i32>} : memref<26x512xi32, #tpu.memory_space<vmem>>, vector<1x16xi32>,
      %get3A_418 = vector.shape_cast %get3A_417 : vector<1x16xi32> to vector<16xi32>
      %add3A_419 = arith.constant 2000000 : i32
      %add3A_420 = vector.broadcast %add3A_419 : i32 to vector<16xi32>
      %add3A_421 = arith.addi %get3A_418, %add3A_420 : vector<16xi32>
      %mul3A_422 = arith.constant 16 : i32
      %mul3A_423 = arith.muli %scan3A_53, %mul3A_422 : i32
      %swap3A_424 = arith.constant 20 : i32
      %swap3A_425 = arith.index_cast %swap3A_424 : i32 to index
      %swap3A_426 = arith.index_cast %mul3A_423 : i32 to index
      %swap3A_427 = tpu.vector_load %arg5[%swap3A_425, %swap3A_426] {strides = array<i32>} : memref<26x512xi32, #tpu.memory_space<vmem>>, vector<1x16xi32>,
      %swap3A_428 = vector.shape_cast %swap3A_427 : vector<1x16xi32> to vector<16xi32>
      %swap3A_429 = vector.shape_cast %add3A_421 : vector<16xi32> to vector<1x16xi32>
      tpu.vector_store %arg5[%swap3A_425, %swap3A_426], %swap3A_429 {strides = array<i32>} : memref<26x512xi32, #tpu.memory_space<vmem>>, vector<1x16xi32>,
      %mul3A_430 = arith.constant 16 : i32
      %mul3A_431 = arith.muli %scan3A_53, %mul3A_430 : i32
      %get3A_432 = arith.constant 21 : i32
      %get3A_433 = arith.index_cast %get3A_432 : i32 to index
      %get3A_434 = arith.index_cast %mul3A_431 : i32 to index
      %get3A_435 = tpu.vector_load %arg5[%get3A_433, %get3A_434] {strides = array<i32>} : memref<26x512xi32, #tpu.memory_space<vmem>>, vector<1x16xi32>,
      %get3A_436 = vector.shape_cast %get3A_435 : vector<1x16xi32> to vector<16xi32>
      %add3A_437 = arith.constant 2100000 : i32
      %add3A_438 = vector.broadcast %add3A_437 : i32 to vector<16xi32>
      %add3A_439 = arith.addi %get3A_436, %add3A_438 : vector<16xi32>
      %mul3A_440 = arith.constant 16 : i32
      %mul3A_441 = arith.muli %scan3A_53, %mul3A_440 : i32
      %swap3A_442 = arith.constant 21 : i32
      %swap3A_443 = arith.index_cast %swap3A_442 : i32 to index
      %swap3A_444 = arith.index_cast %mul3A_441 : i32 to index
      %swap3A_445 = tpu.vector_load %arg5[%swap3A_443, %swap3A_444] {strides = array<i32>} : memref<26x512xi32, #tpu.memory_space<vmem>>, vector<1x16xi32>,
      %swap3A_446 = vector.shape_cast %swap3A_445 : vector<1x16xi32> to vector<16xi32>
      %swap3A_447 = vector.shape_cast %add3A_439 : vector<16xi32> to vector<1x16xi32>
      tpu.vector_store %arg5[%swap3A_443, %swap3A_444], %swap3A_447 {strides = array<i32>} : memref<26x512xi32, #tpu.memory_space<vmem>>, vector<1x16xi32>,
      %mul3A_448 = arith.constant 16 : i32
      %mul3A_449 = arith.muli %scan3A_53, %mul3A_448 : i32
      %get3A_450 = arith.constant 22 : i32
      %get3A_451 = arith.index_cast %get3A_450 : i32 to index
      %get3A_452 = arith.index_cast %mul3A_449 : i32 to index
      %get3A_453 = tpu.vector_load %arg5[%get3A_451, %get3A_452] {strides = array<i32>} : memref<26x512xi32, #tpu.memory_space<vmem>>, vector<1x16xi32>,
      %get3A_454 = vector.shape_cast %get3A_453 : vector<1x16xi32> to vector<16xi32>
      %add3A_455 = arith.constant 2200000 : i32
      %add3A_456 = vector.broadcast %add3A_455 : i32 to vector<16xi32>
      %add3A_457 = arith.addi %get3A_454, %add3A_456 : vector<16xi32>
      %mul3A_458 = arith.constant 16 : i32
      %mul3A_459 = arith.muli %scan3A_53, %mul3A_458 : i32
      %swap3A_460 = arith.constant 22 : i32
      %swap3A_461 = arith.index_cast %swap3A_460 : i32 to index
      %swap3A_462 = arith.index_cast %mul3A_459 : i32 to index
      %swap3A_463 = tpu.vector_load %arg5[%swap3A_461, %swap3A_462] {strides = array<i32>} : memref<26x512xi32, #tpu.memory_space<vmem>>, vector<1x16xi32>,
      %swap3A_464 = vector.shape_cast %swap3A_463 : vector<1x16xi32> to vector<16xi32>
      %swap3A_465 = vector.shape_cast %add3A_457 : vector<16xi32> to vector<1x16xi32>
      tpu.vector_store %arg5[%swap3A_461, %swap3A_462], %swap3A_465 {strides = array<i32>} : memref<26x512xi32, #tpu.memory_space<vmem>>, vector<1x16xi32>,
      %mul3A_466 = arith.constant 16 : i32
      %mul3A_467 = arith.muli %scan3A_53, %mul3A_466 : i32
      %get3A_468 = arith.constant 23 : i32
      %get3A_469 = arith.index_cast %get3A_468 : i32 to index
      %get3A_470 = arith.index_cast %mul3A_467 : i32 to index
      %get3A_471 = tpu.vector_load %arg5[%get3A_469, %get3A_470] {strides = array<i32>} : memref<26x512xi32, #tpu.memory_space<vmem>>, vector<1x16xi32>,
      %get3A_472 = vector.shape_cast %get3A_471 : vector<1x16xi32> to vector<16xi32>
      %add3A_473 = arith.constant 2300000 : i32
      %add3A_474 = vector.broadcast %add3A_473 : i32 to vector<16xi32>
      %add3A_475 = arith.addi %get3A_472, %add3A_474 : vector<16xi32>
      %mul3A_476 = arith.constant 16 : i32
      %mul3A_477 = arith.muli %scan3A_53, %mul3A_476 : i32
      %swap3A_478 = arith.constant 23 : i32
      %swap3A_479 = arith.index_cast %swap3A_478 : i32 to index
      %swap3A_480 = arith.index_cast %mul3A_477 : i32 to index
      %swap3A_481 = tpu.vector_load %arg5[%swap3A_479, %swap3A_480] {strides = array<i32>} : memref<26x512xi32, #tpu.memory_space<vmem>>, vector<1x16xi32>,
      %swap3A_482 = vector.shape_cast %swap3A_481 : vector<1x16xi32> to vector<16xi32>
      %swap3A_483 = vector.shape_cast %add3A_475 : vector<16xi32> to vector<1x16xi32>
      tpu.vector_store %arg5[%swap3A_479, %swap3A_480], %swap3A_483 {strides = array<i32>} : memref<26x512xi32, #tpu.memory_space<vmem>>, vector<1x16xi32>,
      %mul3A_484 = arith.constant 16 : i32
      %mul3A_485 = arith.muli %scan3A_53, %mul3A_484 : i32
      %get3A_486 = arith.constant 24 : i32
      %get3A_487 = arith.index_cast %get3A_486 : i32 to index
      %get3A_488 = arith.index_cast %mul3A_485 : i32 to index
      %get3A_489 = tpu.vector_load %arg5[%get3A_487, %get3A_488] {strides = array<i32>} : memref<26x512xi32, #tpu.memory_space<vmem>>, vector<1x16xi32>,
      %get3A_490 = vector.shape_cast %get3A_489 : vector<1x16xi32> to vector<16xi32>
      %add3A_491 = arith.constant 2400000 : i32
      %add3A_492 = vector.broadcast %add3A_491 : i32 to vector<16xi32>
      %add3A_493 = arith.addi %get3A_490, %add3A_492 : vector<16xi32>
      %mul3A_494 = arith.constant 16 : i32
      %mul3A_495 = arith.muli %scan3A_53, %mul3A_494 : i32
      %swap3A_496 = arith.constant 24 : i32
      %swap3A_497 = arith.index_cast %swap3A_496 : i32 to index
      %swap3A_498 = arith.index_cast %mul3A_495 : i32 to index
      %swap3A_499 = tpu.vector_load %arg5[%swap3A_497, %swap3A_498] {strides = array<i32>} : memref<26x512xi32, #tpu.memory_space<vmem>>, vector<1x16xi32>,
      %swap3A_500 = vector.shape_cast %swap3A_499 : vector<1x16xi32> to vector<16xi32>
      %swap3A_501 = vector.shape_cast %add3A_493 : vector<16xi32> to vector<1x16xi32>
      tpu.vector_store %arg5[%swap3A_497, %swap3A_498], %swap3A_501 {strides = array<i32>} : memref<26x512xi32, #tpu.memory_space<vmem>>, vector<1x16xi32>,
      %mul3A_502 = arith.constant 16 : i32
      %mul3A_503 = arith.muli %scan3A_53, %mul3A_502 : i32
      %get3A_504 = arith.constant 25 : i32
      %get3A_505 = arith.index_cast %get3A_504 : i32 to index
      %get3A_506 = arith.index_cast %mul3A_503 : i32 to index
      %get3A_507 = tpu.vector_load %arg5[%get3A_505, %get3A_506] {strides = array<i32>} : memref<26x512xi32, #tpu.memory_space<vmem>>, vector<1x16xi32>,
      %get3A_508 = vector.shape_cast %get3A_507 : vector<1x16xi32> to vector<16xi32>
      %add3A_509 = arith.constant 2500000 : i32
      %add3A_510 = vector.broadcast %add3A_509 : i32 to vector<16xi32>
      %add3A_511 = arith.addi %get3A_508, %add3A_510 : vector<16xi32>
      %mul3A_512 = arith.constant 16 : i32
      %mul3A_513 = arith.muli %scan3A_53, %mul3A_512 : i32
      %swap3A_514 = arith.constant 25 : i32
      %swap3A_515 = arith.index_cast %swap3A_514 : i32 to index
      %swap3A_516 = arith.index_cast %mul3A_513 : i32 to index
      %swap3A_517 = tpu.vector_load %arg5[%swap3A_515, %swap3A_516] {strides = array<i32>} : memref<26x512xi32, #tpu.memory_space<vmem>>, vector<1x16xi32>,
      %swap3A_518 = vector.shape_cast %swap3A_517 : vector<1x16xi32> to vector<16xi32>
      %swap3A_519 = vector.shape_cast %add3A_511 : vector<16xi32> to vector<1x16xi32>
      tpu.vector_store %arg5[%swap3A_515, %swap3A_516], %swap3A_519 {strides = array<i32>} : memref<26x512xi32, #tpu.memory_space<vmem>>, vector<1x16xi32>,
    }
    %scan3A_7 = arith.constant 32 : i32
    %dma_start3A = arith.constant 0 : i32
    %dma_start3A_8 = arith.constant 0 : i32
    %dma_start3A_9 = arith.constant 0 : i32
    %dma_start3A_10 = tpu.memref_slice %arg6[%dma_start3A_8, %dma_start3A_9] : memref<512x64xf32, #tpu.memory_space<vmem>> -> memref<128x64xf32, #tpu.memory_space<vmem>>
    %dma_start3A_11 = arith.constant 0 : i32
    %dma_start3A_12 = tpu.memref_slice %arg5[%dma_start3A, %dma_start3A_11] : memref<26x512xi32, #tpu.memory_space<vmem>> -> memref<1x128xi32, #tpu.memory_space<vmem>>
    %dma_start3A_13 = tpu.memref_squeeze %dma_start3A_12 : memref<1x128xi32, #tpu.memory_space<vmem>> -> memref<128xi32, #tpu.memory_space<vmem>>
    %dma_start3A_14 = arith.constant 0 : i32
    %dma_start3A_15 = arith.constant 0 : i32
    %dma_start3A_16 = tpu.memref_slice %arg3[%dma_start3A_14, %dma_start3A_15] : memref<2600000x64xf32, #tpu.memory_space<hbm>> -> memref<2600000x64xf32, #tpu.memory_space<hbm>>
    tpu.enqueue_indirect_dma source(%dma_start3A_16 : memref<2600000x64xf32, #tpu.memory_space<hbm>>) target(%dma_start3A_10 : memref<128x64xf32, #tpu.memory_space<vmem>>) offsets(%dma_start3A_13 : memref<128xi32, #tpu.memory_space<vmem>>) semaphore(%arg8 : memref<!tpu.dma_semaphore, #tpu.memory_space<semaphore_mem>>)
    %dma_start3A_17 = arith.constant 0 : i32
    %dma_start3A_18 = arith.constant 128 : i32
    %dma_start3A_19 = arith.constant 0 : i32
    %dma_start3A_20 = tpu.memref_slice %arg6[%dma_start3A_18, %dma_start3A_19] : memref<512x64xf32, #tpu.memory_space<vmem>> -> memref<128x64xf32, #tpu.memory_space<vmem>>
    %dma_start3A_21 = arith.constant 128 : i32
    %dma_start3A_22 = tpu.memref_slice %arg5[%dma_start3A_17, %dma_start3A_21] : memref<26x512xi32, #tpu.memory_space<vmem>> -> memref<1x128xi32, #tpu.memory_space<vmem>>
    %dma_start3A_23 = tpu.memref_squeeze %dma_start3A_22 : memref<1x128xi32, #tpu.memory_space<vmem>> -> memref<128xi32, #tpu.memory_space<vmem>>
    %dma_start3A_24 = arith.constant 0 : i32
    %dma_start3A_25 = arith.constant 0 : i32
    %dma_start3A_26 = tpu.memref_slice %arg3[%dma_start3A_24, %dma_start3A_25] : memref<2600000x64xf32, #tpu.memory_space<hbm>> -> memref<2600000x64xf32, #tpu.memory_space<hbm>>
    tpu.enqueue_indirect_dma source(%dma_start3A_26 : memref<2600000x64xf32, #tpu.memory_space<hbm>>) target(%dma_start3A_20 : memref<128x64xf32, #tpu.memory_space<vmem>>) offsets(%dma_start3A_23 : memref<128xi32, #tpu.memory_space<vmem>>) semaphore(%arg8 : memref<!tpu.dma_semaphore, #tpu.memory_space<semaphore_mem>>)
    %dma_start3A_27 = arith.constant 0 : i32
    %dma_start3A_28 = arith.constant 256 : i32
    %dma_start3A_29 = arith.constant 0 : i32
    %dma_start3A_30 = tpu.memref_slice %arg6[%dma_start3A_28, %dma_start3A_29] : memref<512x64xf32, #tpu.memory_space<vmem>> -> memref<128x64xf32, #tpu.memory_space<vmem>>
    %dma_start3A_31 = arith.constant 256 : i32
    %dma_start3A_32 = tpu.memref_slice %arg5[%dma_start3A_27, %dma_start3A_31] : memref<26x512xi32, #tpu.memory_space<vmem>> -> memref<1x128xi32, #tpu.memory_space<vmem>>
    %dma_start3A_33 = tpu.memref_squeeze %dma_start3A_32 : memref<1x128xi32, #tpu.memory_space<vmem>> -> memref<128xi32, #tpu.memory_space<vmem>>
    %dma_start3A_34 = arith.constant 0 : i32
    %dma_start3A_35 = arith.constant 0 : i32
    %dma_start3A_36 = tpu.memref_slice %arg3[%dma_start3A_34, %dma_start3A_35] : memref<2600000x64xf32, #tpu.memory_space<hbm>> -> memref<2600000x64xf32, #tpu.memory_space<hbm>>
    tpu.enqueue_indirect_dma source(%dma_start3A_36 : memref<2600000x64xf32, #tpu.memory_space<hbm>>) target(%dma_start3A_30 : memref<128x64xf32, #tpu.memory_space<vmem>>) offsets(%dma_start3A_33 : memref<128xi32, #tpu.memory_space<vmem>>) semaphore(%arg8 : memref<!tpu.dma_semaphore, #tpu.memory_space<semaphore_mem>>)
    %dma_start3A_37 = arith.constant 0 : i32
    %dma_start3A_38 = arith.constant 384 : i32
    %dma_start3A_39 = arith.constant 0 : i32
    %dma_start3A_40 = tpu.memref_slice %arg6[%dma_start3A_38, %dma_start3A_39] : memref<512x64xf32, #tpu.memory_space<vmem>> -> memref<128x64xf32, #tpu.memory_space<vmem>>
    %dma_start3A_41 = arith.constant 384 : i32
    %dma_start3A_42 = tpu.memref_slice %arg5[%dma_start3A_37, %dma_start3A_41] : memref<26x512xi32, #tpu.memory_space<vmem>> -> memref<1x128xi32, #tpu.memory_space<vmem>>
    %dma_start3A_43 = tpu.memref_squeeze %dma_start3A_42 : memref<1x128xi32, #tpu.memory_space<vmem>> -> memref<128xi32, #tpu.memory_space<vmem>>
    %dma_start3A_44 = arith.constant 0 : i32
    %dma_start3A_45 = arith.constant 0 : i32
    %dma_start3A_46 = tpu.memref_slice %arg3[%dma_start3A_44, %dma_start3A_45] : memref<2600000x64xf32, #tpu.memory_space<hbm>> -> memref<2600000x64xf32, #tpu.memory_space<hbm>>
    tpu.enqueue_indirect_dma source(%dma_start3A_46 : memref<2600000x64xf32, #tpu.memory_space<hbm>>) target(%dma_start3A_40 : memref<128x64xf32, #tpu.memory_space<vmem>>) offsets(%dma_start3A_43 : memref<128xi32, #tpu.memory_space<vmem>>) semaphore(%arg8 : memref<!tpu.dma_semaphore, #tpu.memory_space<semaphore_mem>>)
    %scan3A_47 = arith.constant 0 : i32
    %scan3A_48 = arith.constant 0 : i32
    %scan3A_49 = arith.constant 13 : i32
    %scan3A_50 = arith.addi %scan3A_48, %scan3A_49 : i32
    %scan3A_51 = arith.constant 1 : i32
    scf.for %scan3A_53 = %scan3A_48 to %scan3A_50 step %scan3A_51  : i32 {
      %mul3A_54 = arith.constant 2 : i32
      %mul3A_55 = arith.muli %scan3A_53, %mul3A_54 : i32
      %add3A_56 = arith.constant 1 : i32
      %add3A_57 = arith.addi %mul3A_55, %add3A_56 : i32
      %dma_start3A_58 = arith.constant 0 : i32
      %dma_start3A_59 = arith.constant 0 : i32
      %dma_start3A_60 = tpu.memref_slice %arg7[%dma_start3A_58, %dma_start3A_59] : memref<512x64xf32, #tpu.memory_space<vmem>> -> memref<128x64xf32, #tpu.memory_space<vmem>>
      %dma_start3A_61 = arith.constant 0 : i32
      %dma_start3A_62 = tpu.memref_slice %arg5[%add3A_57, %dma_start3A_61] : memref<26x512xi32, #tpu.memory_space<vmem>> -> memref<1x128xi32, #tpu.memory_space<vmem>>
      %dma_start3A_63 = tpu.memref_squeeze %dma_start3A_62 : memref<1x128xi32, #tpu.memory_space<vmem>> -> memref<128xi32, #tpu.memory_space<vmem>>
      %dma_start3A_64 = arith.constant 0 : i32
      %dma_start3A_65 = arith.constant 0 : i32
      %dma_start3A_66 = tpu.memref_slice %arg3[%dma_start3A_64, %dma_start3A_65] : memref<2600000x64xf32, #tpu.memory_space<hbm>> -> memref<2600000x64xf32, #tpu.memory_space<hbm>>
      tpu.enqueue_indirect_dma source(%dma_start3A_66 : memref<2600000x64xf32, #tpu.memory_space<hbm>>) target(%dma_start3A_60 : memref<128x64xf32, #tpu.memory_space<vmem>>) offsets(%dma_start3A_63 : memref<128xi32, #tpu.memory_space<vmem>>) semaphore(%arg9 : memref<!tpu.dma_semaphore, #tpu.memory_space<semaphore_mem>>)
      %dma_start3A_67 = arith.constant 128 : i32
      %dma_start3A_68 = arith.constant 0 : i32
      %dma_start3A_69 = tpu.memref_slice %arg7[%dma_start3A_67, %dma_start3A_68] : memref<512x64xf32, #tpu.memory_space<vmem>> -> memref<128x64xf32, #tpu.memory_space<vmem>>
      %dma_start3A_70 = arith.constant 128 : i32
      %dma_start3A_71 = tpu.memref_slice %arg5[%add3A_57, %dma_start3A_70] : memref<26x512xi32, #tpu.memory_space<vmem>> -> memref<1x128xi32, #tpu.memory_space<vmem>>
      %dma_start3A_72 = tpu.memref_squeeze %dma_start3A_71 : memref<1x128xi32, #tpu.memory_space<vmem>> -> memref<128xi32, #tpu.memory_space<vmem>>
      %dma_start3A_73 = arith.constant 0 : i32
      %dma_start3A_74 = arith.constant 0 : i32
      %dma_start3A_75 = tpu.memref_slice %arg3[%dma_start3A_73, %dma_start3A_74] : memref<2600000x64xf32, #tpu.memory_space<hbm>> -> memref<2600000x64xf32, #tpu.memory_space<hbm>>
      tpu.enqueue_indirect_dma source(%dma_start3A_75 : memref<2600000x64xf32, #tpu.memory_space<hbm>>) target(%dma_start3A_69 : memref<128x64xf32, #tpu.memory_space<vmem>>) offsets(%dma_start3A_72 : memref<128xi32, #tpu.memory_space<vmem>>) semaphore(%arg9 : memref<!tpu.dma_semaphore, #tpu.memory_space<semaphore_mem>>)
      %dma_start3A_76 = arith.constant 256 : i32
      %dma_start3A_77 = arith.constant 0 : i32
      %dma_start3A_78 = tpu.memref_slice %arg7[%dma_start3A_76, %dma_start3A_77] : memref<512x64xf32, #tpu.memory_space<vmem>> -> memref<128x64xf32, #tpu.memory_space<vmem>>
      %dma_start3A_79 = arith.constant 256 : i32
      %dma_start3A_80 = tpu.memref_slice %arg5[%add3A_57, %dma_start3A_79] : memref<26x512xi32, #tpu.memory_space<vmem>> -> memref<1x128xi32, #tpu.memory_space<vmem>>
      %dma_start3A_81 = tpu.memref_squeeze %dma_start3A_80 : memref<1x128xi32, #tpu.memory_space<vmem>> -> memref<128xi32, #tpu.memory_space<vmem>>
      %dma_start3A_82 = arith.constant 0 : i32
      %dma_start3A_83 = arith.constant 0 : i32
      %dma_start3A_84 = tpu.memref_slice %arg3[%dma_start3A_82, %dma_start3A_83] : memref<2600000x64xf32, #tpu.memory_space<hbm>> -> memref<2600000x64xf32, #tpu.memory_space<hbm>>
      tpu.enqueue_indirect_dma source(%dma_start3A_84 : memref<2600000x64xf32, #tpu.memory_space<hbm>>) target(%dma_start3A_78 : memref<128x64xf32, #tpu.memory_space<vmem>>) offsets(%dma_start3A_81 : memref<128xi32, #tpu.memory_space<vmem>>) semaphore(%arg9 : memref<!tpu.dma_semaphore, #tpu.memory_space<semaphore_mem>>)
      %dma_start3A_85 = arith.constant 384 : i32
      %dma_start3A_86 = arith.constant 0 : i32
      %dma_start3A_87 = tpu.memref_slice %arg7[%dma_start3A_85, %dma_start3A_86] : memref<512x64xf32, #tpu.memory_space<vmem>> -> memref<128x64xf32, #tpu.memory_space<vmem>>
      %dma_start3A_88 = arith.constant 384 : i32
      %dma_start3A_89 = tpu.memref_slice %arg5[%add3A_57, %dma_start3A_88] : memref<26x512xi32, #tpu.memory_space<vmem>> -> memref<1x128xi32, #tpu.memory_space<vmem>>
      %dma_start3A_90 = tpu.memref_squeeze %dma_start3A_89 : memref<1x128xi32, #tpu.memory_space<vmem>> -> memref<128xi32, #tpu.memory_space<vmem>>
      %dma_start3A_91 = arith.constant 0 : i32
      %dma_start3A_92 = arith.constant 0 : i32
      %dma_start3A_93 = tpu.memref_slice %arg3[%dma_start3A_91, %dma_start3A_92] : memref<2600000x64xf32, #tpu.memory_space<hbm>> -> memref<2600000x64xf32, #tpu.memory_space<hbm>>
      tpu.enqueue_indirect_dma source(%dma_start3A_93 : memref<2600000x64xf32, #tpu.memory_space<hbm>>) target(%dma_start3A_87 : memref<128x64xf32, #tpu.memory_space<vmem>>) offsets(%dma_start3A_90 : memref<128xi32, #tpu.memory_space<vmem>>) semaphore(%arg9 : memref<!tpu.dma_semaphore, #tpu.memory_space<semaphore_mem>>)
      %dma_wait3A = arith.constant 0 : i32
      %dma_wait3A_94 = arith.constant 0 : i32
      %dma_wait3A_95 = tpu.memref_slice %arg3[%dma_wait3A, %dma_wait3A_94] : memref<2600000x64xf32, #tpu.memory_space<hbm>> -> memref<512x64xf32, #tpu.memory_space<hbm>>
      %dma_wait3A_96 = arith.constant 0 : i32
      %dma_wait3A_97 = arith.constant 0 : i32
      %dma_wait3A_98 = tpu.memref_slice %arg3[%dma_wait3A_96, %dma_wait3A_97] : memref<2600000x64xf32, #tpu.memory_space<hbm>> -> memref<512x64xf32, #tpu.memory_space<hbm>>
      tpu.wait_dma2 semaphore(%arg8 : memref<!tpu.dma_semaphore, #tpu.memory_space<semaphore_mem>>) src(%dma_wait3A_98 : memref<512x64xf32, #tpu.memory_space<hbm>>) dst(%arg6 : memref<512x64xf32, #tpu.memory_space<vmem>>)
      %mul3A_99 = arith.constant 16384 : i32
      %mul3A_100 = arith.muli %mul3A_55, %mul3A_99 : i32
      %add3A_101 = arith.addi %mul3A_100, %mul3A_2 : i32
      "tpu.region"() ({
        %run_scoped3A = tpu.sem_alloc : memref<!tpu.dma_semaphore, #tpu.memory_space<semaphore_mem>>
        %dma_start3A_117 = arith.constant 0 : i32
        %dma_start3A_118 = tpu.memref_slice %arg4[%add3A_101, %dma_start3A_117] : memref<425984x64xf32, #tpu.memory_space<hbm>> -> memref<512x64xf32, #tpu.memory_space<hbm>>
        %dma_start3A_119 = arith.constant 0 : i32
        %dma_start3A_120 = tpu.memref_slice %arg4[%add3A_101, %dma_start3A_119] : memref<425984x64xf32, #tpu.memory_space<hbm>> -> memref<512x64xf32, #tpu.memory_space<hbm>>
        tpu.enqueue_dma source(%arg6 : memref<512x64xf32, #tpu.memory_space<vmem>>) target(%dma_start3A_120 : memref<512x64xf32, #tpu.memory_space<hbm>>) target_semaphore(%run_scoped3A : memref<!tpu.dma_semaphore, #tpu.memory_space<semaphore_mem>>)
        %dma_wait3A_121 = arith.constant 0 : i32
        %dma_wait3A_122 = tpu.memref_slice %arg4[%add3A_101, %dma_wait3A_121] : memref<425984x64xf32, #tpu.memory_space<hbm>> -> memref<512x64xf32, #tpu.memory_space<hbm>>
        %dma_wait3A_123 = arith.constant 0 : i32
        %dma_wait3A_124 = tpu.memref_slice %arg4[%add3A_101, %dma_wait3A_123] : memref<425984x64xf32, #tpu.memory_space<hbm>> -> memref<512x64xf32, #tpu.memory_space<hbm>>
        tpu.wait_dma2 semaphore(%run_scoped3A : memref<!tpu.dma_semaphore, #tpu.memory_space<semaphore_mem>>) src(%arg6 : memref<512x64xf32, #tpu.memory_space<vmem>>) dst(%dma_wait3A_124 : memref<512x64xf32, #tpu.memory_space<hbm>>)
        tpu.yield
      }) : () -> ()
      %add3A_102 = arith.constant 2 : i32
      %add3A_103 = arith.addi %mul3A_55, %add3A_102 : i32
      %lt3A = arith.constant 26 : i32
      %lt3A_104 = arith.cmpi slt, %add3A_103, %lt3A : i32
      %convert_element_type3A = arith.extui %lt3A_104 : i1 to i32
      %cond3A = arith.constant 0 : i32
      %cond3A_105 = arith.cmpi ne, %convert_element_type3A, %cond3A : i32
      scf.if %cond3A_105 {
        %add3A_117 = arith.constant 2 : i32
        %add3A_118 = arith.addi %mul3A_55, %add3A_117 : i32
        %dma_start3A_119 = arith.constant 0 : i32
        %dma_start3A_120 = arith.constant 0 : i32
        %dma_start3A_121 = tpu.memref_slice %arg6[%dma_start3A_119, %dma_start3A_120] : memref<512x64xf32, #tpu.memory_space<vmem>> -> memref<128x64xf32, #tpu.memory_space<vmem>>
        %dma_start3A_122 = arith.constant 0 : i32
        %dma_start3A_123 = tpu.memref_slice %arg5[%add3A_118, %dma_start3A_122] : memref<26x512xi32, #tpu.memory_space<vmem>> -> memref<1x128xi32, #tpu.memory_space<vmem>>
        %dma_start3A_124 = tpu.memref_squeeze %dma_start3A_123 : memref<1x128xi32, #tpu.memory_space<vmem>> -> memref<128xi32, #tpu.memory_space<vmem>>
        %dma_start3A_125 = arith.constant 0 : i32
        %dma_start3A_126 = arith.constant 0 : i32
        %dma_start3A_127 = tpu.memref_slice %arg3[%dma_start3A_125, %dma_start3A_126] : memref<2600000x64xf32, #tpu.memory_space<hbm>> -> memref<2600000x64xf32, #tpu.memory_space<hbm>>
        tpu.enqueue_indirect_dma source(%dma_start3A_127 : memref<2600000x64xf32, #tpu.memory_space<hbm>>) target(%dma_start3A_121 : memref<128x64xf32, #tpu.memory_space<vmem>>) offsets(%dma_start3A_124 : memref<128xi32, #tpu.memory_space<vmem>>) semaphore(%arg8 : memref<!tpu.dma_semaphore, #tpu.memory_space<semaphore_mem>>)
        %dma_start3A_128 = arith.constant 128 : i32
        %dma_start3A_129 = arith.constant 0 : i32
        %dma_start3A_130 = tpu.memref_slice %arg6[%dma_start3A_128, %dma_start3A_129] : memref<512x64xf32, #tpu.memory_space<vmem>> -> memref<128x64xf32, #tpu.memory_space<vmem>>
        %dma_start3A_131 = arith.constant 128 : i32
        %dma_start3A_132 = tpu.memref_slice %arg5[%add3A_118, %dma_start3A_131] : memref<26x512xi32, #tpu.memory_space<vmem>> -> memref<1x128xi32, #tpu.memory_space<vmem>>
        %dma_start3A_133 = tpu.memref_squeeze %dma_start3A_132 : memref<1x128xi32, #tpu.memory_space<vmem>> -> memref<128xi32, #tpu.memory_space<vmem>>
        %dma_start3A_134 = arith.constant 0 : i32
        %dma_start3A_135 = arith.constant 0 : i32
        %dma_start3A_136 = tpu.memref_slice %arg3[%dma_start3A_134, %dma_start3A_135] : memref<2600000x64xf32, #tpu.memory_space<hbm>> -> memref<2600000x64xf32, #tpu.memory_space<hbm>>
        tpu.enqueue_indirect_dma source(%dma_start3A_136 : memref<2600000x64xf32, #tpu.memory_space<hbm>>) target(%dma_start3A_130 : memref<128x64xf32, #tpu.memory_space<vmem>>) offsets(%dma_start3A_133 : memref<128xi32, #tpu.memory_space<vmem>>) semaphore(%arg8 : memref<!tpu.dma_semaphore, #tpu.memory_space<semaphore_mem>>)
        %dma_start3A_137 = arith.constant 256 : i32
        %dma_start3A_138 = arith.constant 0 : i32
        %dma_start3A_139 = tpu.memref_slice %arg6[%dma_start3A_137, %dma_start3A_138] : memref<512x64xf32, #tpu.memory_space<vmem>> -> memref<128x64xf32, #tpu.memory_space<vmem>>
        %dma_start3A_140 = arith.constant 256 : i32
        %dma_start3A_141 = tpu.memref_slice %arg5[%add3A_118, %dma_start3A_140] : memref<26x512xi32, #tpu.memory_space<vmem>> -> memref<1x128xi32, #tpu.memory_space<vmem>>
        %dma_start3A_142 = tpu.memref_squeeze %dma_start3A_141 : memref<1x128xi32, #tpu.memory_space<vmem>> -> memref<128xi32, #tpu.memory_space<vmem>>
        %dma_start3A_143 = arith.constant 0 : i32
        %dma_start3A_144 = arith.constant 0 : i32
        %dma_start3A_145 = tpu.memref_slice %arg3[%dma_start3A_143, %dma_start3A_144] : memref<2600000x64xf32, #tpu.memory_space<hbm>> -> memref<2600000x64xf32, #tpu.memory_space<hbm>>
        tpu.enqueue_indirect_dma source(%dma_start3A_145 : memref<2600000x64xf32, #tpu.memory_space<hbm>>) target(%dma_start3A_139 : memref<128x64xf32, #tpu.memory_space<vmem>>) offsets(%dma_start3A_142 : memref<128xi32, #tpu.memory_space<vmem>>) semaphore(%arg8 : memref<!tpu.dma_semaphore, #tpu.memory_space<semaphore_mem>>)
        %dma_start3A_146 = arith.constant 384 : i32
        %dma_start3A_147 = arith.constant 0 : i32
        %dma_start3A_148 = tpu.memref_slice %arg6[%dma_start3A_146, %dma_start3A_147] : memref<512x64xf32, #tpu.memory_space<vmem>> -> memref<128x64xf32, #tpu.memory_space<vmem>>
        %dma_start3A_149 = arith.constant 384 : i32
        %dma_start3A_150 = tpu.memref_slice %arg5[%add3A_118, %dma_start3A_149] : memref<26x512xi32, #tpu.memory_space<vmem>> -> memref<1x128xi32, #tpu.memory_space<vmem>>
        %dma_start3A_151 = tpu.memref_squeeze %dma_start3A_150 : memref<1x128xi32, #tpu.memory_space<vmem>> -> memref<128xi32, #tpu.memory_space<vmem>>
        %dma_start3A_152 = arith.constant 0 : i32
        %dma_start3A_153 = arith.constant 0 : i32
        %dma_start3A_154 = tpu.memref_slice %arg3[%dma_start3A_152, %dma_start3A_153] : memref<2600000x64xf32, #tpu.memory_space<hbm>> -> memref<2600000x64xf32, #tpu.memory_space<hbm>>
        tpu.enqueue_indirect_dma source(%dma_start3A_154 : memref<2600000x64xf32, #tpu.memory_space<hbm>>) target(%dma_start3A_148 : memref<128x64xf32, #tpu.memory_space<vmem>>) offsets(%dma_start3A_151 : memref<128xi32, #tpu.memory_space<vmem>>) semaphore(%arg8 : memref<!tpu.dma_semaphore, #tpu.memory_space<semaphore_mem>>)
      } else {
      }
      %dma_wait3A_106 = arith.constant 0 : i32
      %dma_wait3A_107 = arith.constant 0 : i32
      %dma_wait3A_108 = tpu.memref_slice %arg3[%dma_wait3A_106, %dma_wait3A_107] : memref<2600000x64xf32, #tpu.memory_space<hbm>> -> memref<512x64xf32, #tpu.memory_space<hbm>>
      %dma_wait3A_109 = arith.constant 0 : i32
      %dma_wait3A_110 = arith.constant 0 : i32
      %dma_wait3A_111 = tpu.memref_slice %arg3[%dma_wait3A_109, %dma_wait3A_110] : memref<2600000x64xf32, #tpu.memory_space<hbm>> -> memref<512x64xf32, #tpu.memory_space<hbm>>
      tpu.wait_dma2 semaphore(%arg9 : memref<!tpu.dma_semaphore, #tpu.memory_space<semaphore_mem>>) src(%dma_wait3A_111 : memref<512x64xf32, #tpu.memory_space<hbm>>) dst(%arg7 : memref<512x64xf32, #tpu.memory_space<vmem>>)
      %add3A_112 = arith.constant 1 : i32
      %add3A_113 = arith.addi %mul3A_55, %add3A_112 : i32
      %mul3A_114 = arith.constant 16384 : i32
      %mul3A_115 = arith.muli %add3A_113, %mul3A_114 : i32
      %add3A_116 = arith.addi %mul3A_115, %mul3A_2 : i32
      "tpu.region"() ({
        %run_scoped3A = tpu.sem_alloc : memref<!tpu.dma_semaphore, #tpu.memory_space<semaphore_mem>>
        %dma_start3A_117 = arith.constant 0 : i32
        %dma_start3A_118 = tpu.memref_slice %arg4[%add3A_116, %dma_start3A_117] : memref<425984x64xf32, #tpu.memory_space<hbm>> -> memref<512x64xf32, #tpu.memory_space<hbm>>
        %dma_start3A_119 = arith.constant 0 : i32
        %dma_start3A_120 = tpu.memref_slice %arg4[%add3A_116, %dma_start3A_119] : memref<425984x64xf32, #tpu.memory_space<hbm>> -> memref<512x64xf32, #tpu.memory_space<hbm>>
        tpu.enqueue_dma source(%arg7 : memref<512x64xf32, #tpu.memory_space<vmem>>) target(%dma_start3A_120 : memref<512x64xf32, #tpu.memory_space<hbm>>) target_semaphore(%run_scoped3A : memref<!tpu.dma_semaphore, #tpu.memory_space<semaphore_mem>>)
        %dma_wait3A_121 = arith.constant 0 : i32
        %dma_wait3A_122 = tpu.memref_slice %arg4[%add3A_116, %dma_wait3A_121] : memref<425984x64xf32, #tpu.memory_space<hbm>> -> memref<512x64xf32, #tpu.memory_space<hbm>>
        %dma_wait3A_123 = arith.constant 0 : i32
        %dma_wait3A_124 = tpu.memref_slice %arg4[%add3A_116, %dma_wait3A_123] : memref<425984x64xf32, #tpu.memory_space<hbm>> -> memref<512x64xf32, #tpu.memory_space<hbm>>
        tpu.wait_dma2 semaphore(%run_scoped3A : memref<!tpu.dma_semaphore, #tpu.memory_space<semaphore_mem>>) src(%arg7 : memref<512x64xf32, #tpu.memory_space<vmem>>) dst(%dma_wait3A_124 : memref<512x64xf32, #tpu.memory_space<hbm>>)
        tpu.yield
      }) : () -> ()
    }
    %scan3A_52 = arith.constant 13 : i32
    return
  }
}

module attributes {stable_mosaic.version = 14 : i64} {
  func.func @_tc_body(%arg0: i32, %arg1: i32, %arg2: memref<1x128x8x128xf32, #tpu.memory_space<vmem>>, %arg3: memref<1x1x2048xf32, #tpu.memory_space<vmem>>, %arg4: memref<1x1x64xf32, #tpu.memory_space<vmem>>, %arg5: memref<1x1x64xf32, #tpu.memory_space<vmem>>, %arg6: memref<1x1x64xf32, #tpu.memory_space<vmem>>, %arg7: memref<1x8x16x8x128xf32, #tpu.memory_space<vmem>>) attributes {dimension_semantics = [#tpu.dimension_semantics<arbitrary>, #tpu.dimension_semantics<arbitrary>], iteration_bounds = array<i64: 39, 8>, scalar_prefetch = 0 : i64, scratch_operands = 0 : i64, tpu.core_type = #tpu.core_type<tc>, window_params = [{transform_indices = @transform_0, window_bounds = array<i64: 1, 128, 8, 128>}, {transform_indices = @transform_1, window_bounds = array<i64: 1, 1, 2048>}, {transform_indices = @transform_2, window_bounds = array<i64: 1, 1, 64>}, {transform_indices = @transform_3, window_bounds = array<i64: 1, 1, 64>}, {transform_indices = @transform_4, window_bounds = array<i64: 1, 1, 64>}, {transform_indices = @transform_5, window_bounds = array<i64: 1, 8, 16, 8, 128>}]} {
    %lt3A = arith.constant 13 : i32
    %lt3A_0 = arith.cmpi slt, %arg0, %lt3A : i32
    %convert_element_type3A = arith.extui %lt3A_0 : i1 to i32
    %cond3A = arith.constant 0 : i32
    %cond3A_1 = arith.cmpi ne, %convert_element_type3A, %cond3A : i32
    scf.if %cond3A_1 {
      %get3A = arith.constant 0 : index
      %get3A_6 = arith.constant 0 : index
      %get3A_7 = arith.constant 0 : index
      %get3A_8 = vector.load %arg3[%get3A, %get3A_6, %get3A_7] : memref<1x1x2048xf32, #tpu.memory_space<vmem>>, vector<1x1x2048xf32>
      %get3A_9 = vector.shape_cast %get3A_8 : vector<1x1x2048xf32> to vector<2048xf32>
      %reshape3A = vector.shape_cast %get3A_9 : vector<2048xf32> to vector<16x128xf32>
      %get3A_10 = arith.constant 0 : index
      %get3A_11 = arith.constant 0 : index
      %get3A_12 = arith.constant 0 : index
      %get3A_13 = vector.load %arg4[%get3A_10, %get3A_11, %get3A_12] : memref<1x1x64xf32, #tpu.memory_space<vmem>>, vector<1x1x64xf32>
      %get3A_14 = vector.shape_cast %get3A_13 : vector<1x1x64xf32> to vector<64xf32>
      %get3A_15 = arith.constant 0 : index
      %get3A_16 = arith.constant 0 : index
      %get3A_17 = arith.constant 0 : index
      %get3A_18 = vector.load %arg5[%get3A_15, %get3A_16, %get3A_17] : memref<1x1x64xf32, #tpu.memory_space<vmem>>, vector<1x1x64xf32>
      %get3A_19 = vector.shape_cast %get3A_18 : vector<1x1x64xf32> to vector<64xf32>
      %broadcast_in_dim3A = vector.shape_cast %get3A_14 : vector<64xf32> to vector<64x1xf32>
      %slice3A = vector.extract_strided_slice %reshape3A {offsets = [0, 0], sizes = [1, 128], strides = [1, 1]} : vector<16x128xf32> to vector<1x128xf32>
      %squeeze3A = vector.shape_cast %slice3A : vector<1x128xf32> to vector<128xf32>
      %broadcast_in_dim3A_20 = vector.shape_cast %squeeze3A : vector<128xf32> to vector<1x128xf32>
      %mul3A = vector.broadcast %broadcast_in_dim3A : vector<64x1xf32> to vector<64x128xf32>
      %mul3A_21 = vector.broadcast %broadcast_in_dim3A_20 : vector<1x128xf32> to vector<64x128xf32>
      %mul3A_22 = arith.mulf %mul3A, %mul3A_21 : vector<64x128xf32>
      %broadcast_in_dim3A_23 = vector.shape_cast %get3A_19 : vector<64xf32> to vector<64x1xf32>
      %add3A = vector.broadcast %broadcast_in_dim3A_23 : vector<64x1xf32> to vector<64x128xf32>
      %add3A_24 = arith.addf %mul3A_22, %add3A : vector<64x128xf32>
      %reshape3A_25 = vector.shape_cast %add3A_24 : vector<64x128xf32> to vector<8x8x128xf32>
      %swap3A = arith.constant 0 : index
      %swap3A_26 = arith.constant 0 : index
      %swap3A_27 = arith.constant 0 : index
      %swap3A_28 = arith.constant 0 : index
      %swap3A_29 = arith.constant 0 : index
      %swap3A_30 = vector.load %arg7[%swap3A, %swap3A_26, %swap3A_27, %swap3A_28, %swap3A_29] : memref<1x8x16x8x128xf32, #tpu.memory_space<vmem>>, vector<1x8x1x8x128xf32>
      %swap3A_31 = vector.shape_cast %swap3A_30 : vector<1x8x1x8x128xf32> to vector<8x8x128xf32>
      %swap3A_32 = vector.shape_cast %reshape3A_25 : vector<8x8x128xf32> to vector<1x8x1x8x128xf32>
      tpu.vector_store %arg7[%swap3A, %swap3A_26, %swap3A_27, %swap3A_28, %swap3A_29], %swap3A_32 {strides = array<i32>} : memref<1x8x16x8x128xf32, #tpu.memory_space<vmem>>, vector<1x8x1x8x128xf32>,
      %broadcast_in_dim3A_33 = vector.shape_cast %get3A_14 : vector<64xf32> to vector<64x1xf32>
      %slice3A_34 = vector.extract_strided_slice %reshape3A {offsets = [1, 0], sizes = [1, 128], strides = [1, 1]} : vector<16x128xf32> to vector<1x128xf32>
      %squeeze3A_35 = vector.shape_cast %slice3A_34 : vector<1x128xf32> to vector<128xf32>
      %broadcast_in_dim3A_36 = vector.shape_cast %squeeze3A_35 : vector<128xf32> to vector<1x128xf32>
      %mul3A_37 = vector.broadcast %broadcast_in_dim3A_33 : vector<64x1xf32> to vector<64x128xf32>
      %mul3A_38 = vector.broadcast %broadcast_in_dim3A_36 : vector<1x128xf32> to vector<64x128xf32>
      %mul3A_39 = arith.mulf %mul3A_37, %mul3A_38 : vector<64x128xf32>
      %broadcast_in_dim3A_40 = vector.shape_cast %get3A_19 : vector<64xf32> to vector<64x1xf32>
      %add3A_41 = vector.broadcast %broadcast_in_dim3A_40 : vector<64x1xf32> to vector<64x128xf32>
      %add3A_42 = arith.addf %mul3A_39, %add3A_41 : vector<64x128xf32>
      %reshape3A_43 = vector.shape_cast %add3A_42 : vector<64x128xf32> to vector<8x8x128xf32>
      %swap3A_44 = arith.constant 0 : index
      %swap3A_45 = arith.constant 0 : index
      %swap3A_46 = arith.constant 1 : index
      %swap3A_47 = arith.constant 0 : index
      %swap3A_48 = arith.constant 0 : index
      %swap3A_49 = vector.load %arg7[%swap3A_44, %swap3A_45, %swap3A_46, %swap3A_47, %swap3A_48] : memref<1x8x16x8x128xf32, #tpu.memory_space<vmem>>, vector<1x8x1x8x128xf32>
      %swap3A_50 = vector.shape_cast %swap3A_49 : vector<1x8x1x8x128xf32> to vector<8x8x128xf32>
      %swap3A_51 = vector.shape_cast %reshape3A_43 : vector<8x8x128xf32> to vector<1x8x1x8x128xf32>
      tpu.vector_store %arg7[%swap3A_44, %swap3A_45, %swap3A_46, %swap3A_47, %swap3A_48], %swap3A_51 {strides = array<i32>} : memref<1x8x16x8x128xf32, #tpu.memory_space<vmem>>, vector<1x8x1x8x128xf32>,
      %broadcast_in_dim3A_52 = vector.shape_cast %get3A_14 : vector<64xf32> to vector<64x1xf32>
      %slice3A_53 = vector.extract_strided_slice %reshape3A {offsets = [2, 0], sizes = [1, 128], strides = [1, 1]} : vector<16x128xf32> to vector<1x128xf32>
      %squeeze3A_54 = vector.shape_cast %slice3A_53 : vector<1x128xf32> to vector<128xf32>
      %broadcast_in_dim3A_55 = vector.shape_cast %squeeze3A_54 : vector<128xf32> to vector<1x128xf32>
      %mul3A_56 = vector.broadcast %broadcast_in_dim3A_52 : vector<64x1xf32> to vector<64x128xf32>
      %mul3A_57 = vector.broadcast %broadcast_in_dim3A_55 : vector<1x128xf32> to vector<64x128xf32>
      %mul3A_58 = arith.mulf %mul3A_56, %mul3A_57 : vector<64x128xf32>
      %broadcast_in_dim3A_59 = vector.shape_cast %get3A_19 : vector<64xf32> to vector<64x1xf32>
      %add3A_60 = vector.broadcast %broadcast_in_dim3A_59 : vector<64x1xf32> to vector<64x128xf32>
      %add3A_61 = arith.addf %mul3A_58, %add3A_60 : vector<64x128xf32>
      %reshape3A_62 = vector.shape_cast %add3A_61 : vector<64x128xf32> to vector<8x8x128xf32>
      %swap3A_63 = arith.constant 0 : index
      %swap3A_64 = arith.constant 0 : index
      %swap3A_65 = arith.constant 2 : index
      %swap3A_66 = arith.constant 0 : index
      %swap3A_67 = arith.constant 0 : index
      %swap3A_68 = vector.load %arg7[%swap3A_63, %swap3A_64, %swap3A_65, %swap3A_66, %swap3A_67] : memref<1x8x16x8x128xf32, #tpu.memory_space<vmem>>, vector<1x8x1x8x128xf32>
      %swap3A_69 = vector.shape_cast %swap3A_68 : vector<1x8x1x8x128xf32> to vector<8x8x128xf32>
      %swap3A_70 = vector.shape_cast %reshape3A_62 : vector<8x8x128xf32> to vector<1x8x1x8x128xf32>
      tpu.vector_store %arg7[%swap3A_63, %swap3A_64, %swap3A_65, %swap3A_66, %swap3A_67], %swap3A_70 {strides = array<i32>} : memref<1x8x16x8x128xf32, #tpu.memory_space<vmem>>, vector<1x8x1x8x128xf32>,
      %broadcast_in_dim3A_71 = vector.shape_cast %get3A_14 : vector<64xf32> to vector<64x1xf32>
      %slice3A_72 = vector.extract_strided_slice %reshape3A {offsets = [3, 0], sizes = [1, 128], strides = [1, 1]} : vector<16x128xf32> to vector<1x128xf32>
      %squeeze3A_73 = vector.shape_cast %slice3A_72 : vector<1x128xf32> to vector<128xf32>
      %broadcast_in_dim3A_74 = vector.shape_cast %squeeze3A_73 : vector<128xf32> to vector<1x128xf32>
      %mul3A_75 = vector.broadcast %broadcast_in_dim3A_71 : vector<64x1xf32> to vector<64x128xf32>
      %mul3A_76 = vector.broadcast %broadcast_in_dim3A_74 : vector<1x128xf32> to vector<64x128xf32>
      %mul3A_77 = arith.mulf %mul3A_75, %mul3A_76 : vector<64x128xf32>
      %broadcast_in_dim3A_78 = vector.shape_cast %get3A_19 : vector<64xf32> to vector<64x1xf32>
      %add3A_79 = vector.broadcast %broadcast_in_dim3A_78 : vector<64x1xf32> to vector<64x128xf32>
      %add3A_80 = arith.addf %mul3A_77, %add3A_79 : vector<64x128xf32>
      %reshape3A_81 = vector.shape_cast %add3A_80 : vector<64x128xf32> to vector<8x8x128xf32>
      %swap3A_82 = arith.constant 0 : index
      %swap3A_83 = arith.constant 0 : index
      %swap3A_84 = arith.constant 3 : index
      %swap3A_85 = arith.constant 0 : index
      %swap3A_86 = arith.constant 0 : index
      %swap3A_87 = vector.load %arg7[%swap3A_82, %swap3A_83, %swap3A_84, %swap3A_85, %swap3A_86] : memref<1x8x16x8x128xf32, #tpu.memory_space<vmem>>, vector<1x8x1x8x128xf32>
      %swap3A_88 = vector.shape_cast %swap3A_87 : vector<1x8x1x8x128xf32> to vector<8x8x128xf32>
      %swap3A_89 = vector.shape_cast %reshape3A_81 : vector<8x8x128xf32> to vector<1x8x1x8x128xf32>
      tpu.vector_store %arg7[%swap3A_82, %swap3A_83, %swap3A_84, %swap3A_85, %swap3A_86], %swap3A_89 {strides = array<i32>} : memref<1x8x16x8x128xf32, #tpu.memory_space<vmem>>, vector<1x8x1x8x128xf32>,
      %broadcast_in_dim3A_90 = vector.shape_cast %get3A_14 : vector<64xf32> to vector<64x1xf32>
      %slice3A_91 = vector.extract_strided_slice %reshape3A {offsets = [4, 0], sizes = [1, 128], strides = [1, 1]} : vector<16x128xf32> to vector<1x128xf32>
      %squeeze3A_92 = vector.shape_cast %slice3A_91 : vector<1x128xf32> to vector<128xf32>
      %broadcast_in_dim3A_93 = vector.shape_cast %squeeze3A_92 : vector<128xf32> to vector<1x128xf32>
      %mul3A_94 = vector.broadcast %broadcast_in_dim3A_90 : vector<64x1xf32> to vector<64x128xf32>
      %mul3A_95 = vector.broadcast %broadcast_in_dim3A_93 : vector<1x128xf32> to vector<64x128xf32>
      %mul3A_96 = arith.mulf %mul3A_94, %mul3A_95 : vector<64x128xf32>
      %broadcast_in_dim3A_97 = vector.shape_cast %get3A_19 : vector<64xf32> to vector<64x1xf32>
      %add3A_98 = vector.broadcast %broadcast_in_dim3A_97 : vector<64x1xf32> to vector<64x128xf32>
      %add3A_99 = arith.addf %mul3A_96, %add3A_98 : vector<64x128xf32>
      %reshape3A_100 = vector.shape_cast %add3A_99 : vector<64x128xf32> to vector<8x8x128xf32>
      %swap3A_101 = arith.constant 0 : index
      %swap3A_102 = arith.constant 0 : index
      %swap3A_103 = arith.constant 4 : index
      %swap3A_104 = arith.constant 0 : index
      %swap3A_105 = arith.constant 0 : index
      %swap3A_106 = vector.load %arg7[%swap3A_101, %swap3A_102, %swap3A_103, %swap3A_104, %swap3A_105] : memref<1x8x16x8x128xf32, #tpu.memory_space<vmem>>, vector<1x8x1x8x128xf32>
      %swap3A_107 = vector.shape_cast %swap3A_106 : vector<1x8x1x8x128xf32> to vector<8x8x128xf32>
      %swap3A_108 = vector.shape_cast %reshape3A_100 : vector<8x8x128xf32> to vector<1x8x1x8x128xf32>
      tpu.vector_store %arg7[%swap3A_101, %swap3A_102, %swap3A_103, %swap3A_104, %swap3A_105], %swap3A_108 {strides = array<i32>} : memref<1x8x16x8x128xf32, #tpu.memory_space<vmem>>, vector<1x8x1x8x128xf32>,
      %broadcast_in_dim3A_109 = vector.shape_cast %get3A_14 : vector<64xf32> to vector<64x1xf32>
      %slice3A_110 = vector.extract_strided_slice %reshape3A {offsets = [5, 0], sizes = [1, 128], strides = [1, 1]} : vector<16x128xf32> to vector<1x128xf32>
      %squeeze3A_111 = vector.shape_cast %slice3A_110 : vector<1x128xf32> to vector<128xf32>
      %broadcast_in_dim3A_112 = vector.shape_cast %squeeze3A_111 : vector<128xf32> to vector<1x128xf32>
      %mul3A_113 = vector.broadcast %broadcast_in_dim3A_109 : vector<64x1xf32> to vector<64x128xf32>
      %mul3A_114 = vector.broadcast %broadcast_in_dim3A_112 : vector<1x128xf32> to vector<64x128xf32>
      %mul3A_115 = arith.mulf %mul3A_113, %mul3A_114 : vector<64x128xf32>
      %broadcast_in_dim3A_116 = vector.shape_cast %get3A_19 : vector<64xf32> to vector<64x1xf32>
      %add3A_117 = vector.broadcast %broadcast_in_dim3A_116 : vector<64x1xf32> to vector<64x128xf32>
      %add3A_118 = arith.addf %mul3A_115, %add3A_117 : vector<64x128xf32>
      %reshape3A_119 = vector.shape_cast %add3A_118 : vector<64x128xf32> to vector<8x8x128xf32>
      %swap3A_120 = arith.constant 0 : index
      %swap3A_121 = arith.constant 0 : index
      %swap3A_122 = arith.constant 5 : index
      %swap3A_123 = arith.constant 0 : index
      %swap3A_124 = arith.constant 0 : index
      %swap3A_125 = vector.load %arg7[%swap3A_120, %swap3A_121, %swap3A_122, %swap3A_123, %swap3A_124] : memref<1x8x16x8x128xf32, #tpu.memory_space<vmem>>, vector<1x8x1x8x128xf32>
      %swap3A_126 = vector.shape_cast %swap3A_125 : vector<1x8x1x8x128xf32> to vector<8x8x128xf32>
      %swap3A_127 = vector.shape_cast %reshape3A_119 : vector<8x8x128xf32> to vector<1x8x1x8x128xf32>
      tpu.vector_store %arg7[%swap3A_120, %swap3A_121, %swap3A_122, %swap3A_123, %swap3A_124], %swap3A_127 {strides = array<i32>} : memref<1x8x16x8x128xf32, #tpu.memory_space<vmem>>, vector<1x8x1x8x128xf32>,
      %broadcast_in_dim3A_128 = vector.shape_cast %get3A_14 : vector<64xf32> to vector<64x1xf32>
      %slice3A_129 = vector.extract_strided_slice %reshape3A {offsets = [6, 0], sizes = [1, 128], strides = [1, 1]} : vector<16x128xf32> to vector<1x128xf32>
      %squeeze3A_130 = vector.shape_cast %slice3A_129 : vector<1x128xf32> to vector<128xf32>
      %broadcast_in_dim3A_131 = vector.shape_cast %squeeze3A_130 : vector<128xf32> to vector<1x128xf32>
      %mul3A_132 = vector.broadcast %broadcast_in_dim3A_128 : vector<64x1xf32> to vector<64x128xf32>
      %mul3A_133 = vector.broadcast %broadcast_in_dim3A_131 : vector<1x128xf32> to vector<64x128xf32>
      %mul3A_134 = arith.mulf %mul3A_132, %mul3A_133 : vector<64x128xf32>
      %broadcast_in_dim3A_135 = vector.shape_cast %get3A_19 : vector<64xf32> to vector<64x1xf32>
      %add3A_136 = vector.broadcast %broadcast_in_dim3A_135 : vector<64x1xf32> to vector<64x128xf32>
      %add3A_137 = arith.addf %mul3A_134, %add3A_136 : vector<64x128xf32>
      %reshape3A_138 = vector.shape_cast %add3A_137 : vector<64x128xf32> to vector<8x8x128xf32>
      %swap3A_139 = arith.constant 0 : index
      %swap3A_140 = arith.constant 0 : index
      %swap3A_141 = arith.constant 6 : index
      %swap3A_142 = arith.constant 0 : index
      %swap3A_143 = arith.constant 0 : index
      %swap3A_144 = vector.load %arg7[%swap3A_139, %swap3A_140, %swap3A_141, %swap3A_142, %swap3A_143] : memref<1x8x16x8x128xf32, #tpu.memory_space<vmem>>, vector<1x8x1x8x128xf32>
      %swap3A_145 = vector.shape_cast %swap3A_144 : vector<1x8x1x8x128xf32> to vector<8x8x128xf32>
      %swap3A_146 = vector.shape_cast %reshape3A_138 : vector<8x8x128xf32> to vector<1x8x1x8x128xf32>
      tpu.vector_store %arg7[%swap3A_139, %swap3A_140, %swap3A_141, %swap3A_142, %swap3A_143], %swap3A_146 {strides = array<i32>} : memref<1x8x16x8x128xf32, #tpu.memory_space<vmem>>, vector<1x8x1x8x128xf32>,
      %broadcast_in_dim3A_147 = vector.shape_cast %get3A_14 : vector<64xf32> to vector<64x1xf32>
      %slice3A_148 = vector.extract_strided_slice %reshape3A {offsets = [7, 0], sizes = [1, 128], strides = [1, 1]} : vector<16x128xf32> to vector<1x128xf32>
      %squeeze3A_149 = vector.shape_cast %slice3A_148 : vector<1x128xf32> to vector<128xf32>
      %broadcast_in_dim3A_150 = vector.shape_cast %squeeze3A_149 : vector<128xf32> to vector<1x128xf32>
      %mul3A_151 = vector.broadcast %broadcast_in_dim3A_147 : vector<64x1xf32> to vector<64x128xf32>
      %mul3A_152 = vector.broadcast %broadcast_in_dim3A_150 : vector<1x128xf32> to vector<64x128xf32>
      %mul3A_153 = arith.mulf %mul3A_151, %mul3A_152 : vector<64x128xf32>
      %broadcast_in_dim3A_154 = vector.shape_cast %get3A_19 : vector<64xf32> to vector<64x1xf32>
      %add3A_155 = vector.broadcast %broadcast_in_dim3A_154 : vector<64x1xf32> to vector<64x128xf32>
      %add3A_156 = arith.addf %mul3A_153, %add3A_155 : vector<64x128xf32>
      %reshape3A_157 = vector.shape_cast %add3A_156 : vector<64x128xf32> to vector<8x8x128xf32>
      %swap3A_158 = arith.constant 0 : index
      %swap3A_159 = arith.constant 0 : index
      %swap3A_160 = arith.constant 7 : index
      %swap3A_161 = arith.constant 0 : index
      %swap3A_162 = arith.constant 0 : index
      %swap3A_163 = vector.load %arg7[%swap3A_158, %swap3A_159, %swap3A_160, %swap3A_161, %swap3A_162] : memref<1x8x16x8x128xf32, #tpu.memory_space<vmem>>, vector<1x8x1x8x128xf32>
      %swap3A_164 = vector.shape_cast %swap3A_163 : vector<1x8x1x8x128xf32> to vector<8x8x128xf32>
      %swap3A_165 = vector.shape_cast %reshape3A_157 : vector<8x8x128xf32> to vector<1x8x1x8x128xf32>
      tpu.vector_store %arg7[%swap3A_158, %swap3A_159, %swap3A_160, %swap3A_161, %swap3A_162], %swap3A_165 {strides = array<i32>} : memref<1x8x16x8x128xf32, #tpu.memory_space<vmem>>, vector<1x8x1x8x128xf32>,
      %broadcast_in_dim3A_166 = vector.shape_cast %get3A_14 : vector<64xf32> to vector<64x1xf32>
      %slice3A_167 = vector.extract_strided_slice %reshape3A {offsets = [8, 0], sizes = [1, 128], strides = [1, 1]} : vector<16x128xf32> to vector<1x128xf32>
      %squeeze3A_168 = vector.shape_cast %slice3A_167 : vector<1x128xf32> to vector<128xf32>
      %broadcast_in_dim3A_169 = vector.shape_cast %squeeze3A_168 : vector<128xf32> to vector<1x128xf32>
      %mul3A_170 = vector.broadcast %broadcast_in_dim3A_166 : vector<64x1xf32> to vector<64x128xf32>
      %mul3A_171 = vector.broadcast %broadcast_in_dim3A_169 : vector<1x128xf32> to vector<64x128xf32>
      %mul3A_172 = arith.mulf %mul3A_170, %mul3A_171 : vector<64x128xf32>
      %broadcast_in_dim3A_173 = vector.shape_cast %get3A_19 : vector<64xf32> to vector<64x1xf32>
      %add3A_174 = vector.broadcast %broadcast_in_dim3A_173 : vector<64x1xf32> to vector<64x128xf32>
      %add3A_175 = arith.addf %mul3A_172, %add3A_174 : vector<64x128xf32>
      %reshape3A_176 = vector.shape_cast %add3A_175 : vector<64x128xf32> to vector<8x8x128xf32>
      %swap3A_177 = arith.constant 0 : index
      %swap3A_178 = arith.constant 0 : index
      %swap3A_179 = arith.constant 8 : index
      %swap3A_180 = arith.constant 0 : index
      %swap3A_181 = arith.constant 0 : index
      %swap3A_182 = vector.load %arg7[%swap3A_177, %swap3A_178, %swap3A_179, %swap3A_180, %swap3A_181] : memref<1x8x16x8x128xf32, #tpu.memory_space<vmem>>, vector<1x8x1x8x128xf32>
      %swap3A_183 = vector.shape_cast %swap3A_182 : vector<1x8x1x8x128xf32> to vector<8x8x128xf32>
      %swap3A_184 = vector.shape_cast %reshape3A_176 : vector<8x8x128xf32> to vector<1x8x1x8x128xf32>
      tpu.vector_store %arg7[%swap3A_177, %swap3A_178, %swap3A_179, %swap3A_180, %swap3A_181], %swap3A_184 {strides = array<i32>} : memref<1x8x16x8x128xf32, #tpu.memory_space<vmem>>, vector<1x8x1x8x128xf32>,
      %broadcast_in_dim3A_185 = vector.shape_cast %get3A_14 : vector<64xf32> to vector<64x1xf32>
      %slice3A_186 = vector.extract_strided_slice %reshape3A {offsets = [9, 0], sizes = [1, 128], strides = [1, 1]} : vector<16x128xf32> to vector<1x128xf32>
      %squeeze3A_187 = vector.shape_cast %slice3A_186 : vector<1x128xf32> to vector<128xf32>
      %broadcast_in_dim3A_188 = vector.shape_cast %squeeze3A_187 : vector<128xf32> to vector<1x128xf32>
      %mul3A_189 = vector.broadcast %broadcast_in_dim3A_185 : vector<64x1xf32> to vector<64x128xf32>
      %mul3A_190 = vector.broadcast %broadcast_in_dim3A_188 : vector<1x128xf32> to vector<64x128xf32>
      %mul3A_191 = arith.mulf %mul3A_189, %mul3A_190 : vector<64x128xf32>
      %broadcast_in_dim3A_192 = vector.shape_cast %get3A_19 : vector<64xf32> to vector<64x1xf32>
      %add3A_193 = vector.broadcast %broadcast_in_dim3A_192 : vector<64x1xf32> to vector<64x128xf32>
      %add3A_194 = arith.addf %mul3A_191, %add3A_193 : vector<64x128xf32>
      %reshape3A_195 = vector.shape_cast %add3A_194 : vector<64x128xf32> to vector<8x8x128xf32>
      %swap3A_196 = arith.constant 0 : index
      %swap3A_197 = arith.constant 0 : index
      %swap3A_198 = arith.constant 9 : index
      %swap3A_199 = arith.constant 0 : index
      %swap3A_200 = arith.constant 0 : index
      %swap3A_201 = vector.load %arg7[%swap3A_196, %swap3A_197, %swap3A_198, %swap3A_199, %swap3A_200] : memref<1x8x16x8x128xf32, #tpu.memory_space<vmem>>, vector<1x8x1x8x128xf32>
      %swap3A_202 = vector.shape_cast %swap3A_201 : vector<1x8x1x8x128xf32> to vector<8x8x128xf32>
      %swap3A_203 = vector.shape_cast %reshape3A_195 : vector<8x8x128xf32> to vector<1x8x1x8x128xf32>
      tpu.vector_store %arg7[%swap3A_196, %swap3A_197, %swap3A_198, %swap3A_199, %swap3A_200], %swap3A_203 {strides = array<i32>} : memref<1x8x16x8x128xf32, #tpu.memory_space<vmem>>, vector<1x8x1x8x128xf32>,
      %broadcast_in_dim3A_204 = vector.shape_cast %get3A_14 : vector<64xf32> to vector<64x1xf32>
      %slice3A_205 = vector.extract_strided_slice %reshape3A {offsets = [10, 0], sizes = [1, 128], strides = [1, 1]} : vector<16x128xf32> to vector<1x128xf32>
      %squeeze3A_206 = vector.shape_cast %slice3A_205 : vector<1x128xf32> to vector<128xf32>
      %broadcast_in_dim3A_207 = vector.shape_cast %squeeze3A_206 : vector<128xf32> to vector<1x128xf32>
      %mul3A_208 = vector.broadcast %broadcast_in_dim3A_204 : vector<64x1xf32> to vector<64x128xf32>
      %mul3A_209 = vector.broadcast %broadcast_in_dim3A_207 : vector<1x128xf32> to vector<64x128xf32>
      %mul3A_210 = arith.mulf %mul3A_208, %mul3A_209 : vector<64x128xf32>
      %broadcast_in_dim3A_211 = vector.shape_cast %get3A_19 : vector<64xf32> to vector<64x1xf32>
      %add3A_212 = vector.broadcast %broadcast_in_dim3A_211 : vector<64x1xf32> to vector<64x128xf32>
      %add3A_213 = arith.addf %mul3A_210, %add3A_212 : vector<64x128xf32>
      %reshape3A_214 = vector.shape_cast %add3A_213 : vector<64x128xf32> to vector<8x8x128xf32>
      %swap3A_215 = arith.constant 0 : index
      %swap3A_216 = arith.constant 0 : index
      %swap3A_217 = arith.constant 10 : index
      %swap3A_218 = arith.constant 0 : index
      %swap3A_219 = arith.constant 0 : index
      %swap3A_220 = vector.load %arg7[%swap3A_215, %swap3A_216, %swap3A_217, %swap3A_218, %swap3A_219] : memref<1x8x16x8x128xf32, #tpu.memory_space<vmem>>, vector<1x8x1x8x128xf32>
      %swap3A_221 = vector.shape_cast %swap3A_220 : vector<1x8x1x8x128xf32> to vector<8x8x128xf32>
      %swap3A_222 = vector.shape_cast %reshape3A_214 : vector<8x8x128xf32> to vector<1x8x1x8x128xf32>
      tpu.vector_store %arg7[%swap3A_215, %swap3A_216, %swap3A_217, %swap3A_218, %swap3A_219], %swap3A_222 {strides = array<i32>} : memref<1x8x16x8x128xf32, #tpu.memory_space<vmem>>, vector<1x8x1x8x128xf32>,
      %broadcast_in_dim3A_223 = vector.shape_cast %get3A_14 : vector<64xf32> to vector<64x1xf32>
      %slice3A_224 = vector.extract_strided_slice %reshape3A {offsets = [11, 0], sizes = [1, 128], strides = [1, 1]} : vector<16x128xf32> to vector<1x128xf32>
      %squeeze3A_225 = vector.shape_cast %slice3A_224 : vector<1x128xf32> to vector<128xf32>
      %broadcast_in_dim3A_226 = vector.shape_cast %squeeze3A_225 : vector<128xf32> to vector<1x128xf32>
      %mul3A_227 = vector.broadcast %broadcast_in_dim3A_223 : vector<64x1xf32> to vector<64x128xf32>
      %mul3A_228 = vector.broadcast %broadcast_in_dim3A_226 : vector<1x128xf32> to vector<64x128xf32>
      %mul3A_229 = arith.mulf %mul3A_227, %mul3A_228 : vector<64x128xf32>
      %broadcast_in_dim3A_230 = vector.shape_cast %get3A_19 : vector<64xf32> to vector<64x1xf32>
      %add3A_231 = vector.broadcast %broadcast_in_dim3A_230 : vector<64x1xf32> to vector<64x128xf32>
      %add3A_232 = arith.addf %mul3A_229, %add3A_231 : vector<64x128xf32>
      %reshape3A_233 = vector.shape_cast %add3A_232 : vector<64x128xf32> to vector<8x8x128xf32>
      %swap3A_234 = arith.constant 0 : index
      %swap3A_235 = arith.constant 0 : index
      %swap3A_236 = arith.constant 11 : index
      %swap3A_237 = arith.constant 0 : index
      %swap3A_238 = arith.constant 0 : index
      %swap3A_239 = vector.load %arg7[%swap3A_234, %swap3A_235, %swap3A_236, %swap3A_237, %swap3A_238] : memref<1x8x16x8x128xf32, #tpu.memory_space<vmem>>, vector<1x8x1x8x128xf32>
      %swap3A_240 = vector.shape_cast %swap3A_239 : vector<1x8x1x8x128xf32> to vector<8x8x128xf32>
      %swap3A_241 = vector.shape_cast %reshape3A_233 : vector<8x8x128xf32> to vector<1x8x1x8x128xf32>
      tpu.vector_store %arg7[%swap3A_234, %swap3A_235, %swap3A_236, %swap3A_237, %swap3A_238], %swap3A_241 {strides = array<i32>} : memref<1x8x16x8x128xf32, #tpu.memory_space<vmem>>, vector<1x8x1x8x128xf32>,
      %broadcast_in_dim3A_242 = vector.shape_cast %get3A_14 : vector<64xf32> to vector<64x1xf32>
      %slice3A_243 = vector.extract_strided_slice %reshape3A {offsets = [12, 0], sizes = [1, 128], strides = [1, 1]} : vector<16x128xf32> to vector<1x128xf32>
      %squeeze3A_244 = vector.shape_cast %slice3A_243 : vector<1x128xf32> to vector<128xf32>
      %broadcast_in_dim3A_245 = vector.shape_cast %squeeze3A_244 : vector<128xf32> to vector<1x128xf32>
      %mul3A_246 = vector.broadcast %broadcast_in_dim3A_242 : vector<64x1xf32> to vector<64x128xf32>
      %mul3A_247 = vector.broadcast %broadcast_in_dim3A_245 : vector<1x128xf32> to vector<64x128xf32>
      %mul3A_248 = arith.mulf %mul3A_246, %mul3A_247 : vector<64x128xf32>
      %broadcast_in_dim3A_249 = vector.shape_cast %get3A_19 : vector<64xf32> to vector<64x1xf32>
      %add3A_250 = vector.broadcast %broadcast_in_dim3A_249 : vector<64x1xf32> to vector<64x128xf32>
      %add3A_251 = arith.addf %mul3A_248, %add3A_250 : vector<64x128xf32>
      %reshape3A_252 = vector.shape_cast %add3A_251 : vector<64x128xf32> to vector<8x8x128xf32>
      %swap3A_253 = arith.constant 0 : index
      %swap3A_254 = arith.constant 0 : index
      %swap3A_255 = arith.constant 12 : index
      %swap3A_256 = arith.constant 0 : index
      %swap3A_257 = arith.constant 0 : index
      %swap3A_258 = vector.load %arg7[%swap3A_253, %swap3A_254, %swap3A_255, %swap3A_256, %swap3A_257] : memref<1x8x16x8x128xf32, #tpu.memory_space<vmem>>, vector<1x8x1x8x128xf32>
      %swap3A_259 = vector.shape_cast %swap3A_258 : vector<1x8x1x8x128xf32> to vector<8x8x128xf32>
      %swap3A_260 = vector.shape_cast %reshape3A_252 : vector<8x8x128xf32> to vector<1x8x1x8x128xf32>
      tpu.vector_store %arg7[%swap3A_253, %swap3A_254, %swap3A_255, %swap3A_256, %swap3A_257], %swap3A_260 {strides = array<i32>} : memref<1x8x16x8x128xf32, #tpu.memory_space<vmem>>, vector<1x8x1x8x128xf32>,
      %broadcast_in_dim3A_261 = vector.shape_cast %get3A_14 : vector<64xf32> to vector<64x1xf32>
      %slice3A_262 = vector.extract_strided_slice %reshape3A {offsets = [13, 0], sizes = [1, 128], strides = [1, 1]} : vector<16x128xf32> to vector<1x128xf32>
      %squeeze3A_263 = vector.shape_cast %slice3A_262 : vector<1x128xf32> to vector<128xf32>
      %broadcast_in_dim3A_264 = vector.shape_cast %squeeze3A_263 : vector<128xf32> to vector<1x128xf32>
      %mul3A_265 = vector.broadcast %broadcast_in_dim3A_261 : vector<64x1xf32> to vector<64x128xf32>
      %mul3A_266 = vector.broadcast %broadcast_in_dim3A_264 : vector<1x128xf32> to vector<64x128xf32>
      %mul3A_267 = arith.mulf %mul3A_265, %mul3A_266 : vector<64x128xf32>
      %broadcast_in_dim3A_268 = vector.shape_cast %get3A_19 : vector<64xf32> to vector<64x1xf32>
      %add3A_269 = vector.broadcast %broadcast_in_dim3A_268 : vector<64x1xf32> to vector<64x128xf32>
      %add3A_270 = arith.addf %mul3A_267, %add3A_269 : vector<64x128xf32>
      %reshape3A_271 = vector.shape_cast %add3A_270 : vector<64x128xf32> to vector<8x8x128xf32>
      %swap3A_272 = arith.constant 0 : index
      %swap3A_273 = arith.constant 0 : index
      %swap3A_274 = arith.constant 13 : index
      %swap3A_275 = arith.constant 0 : index
      %swap3A_276 = arith.constant 0 : index
      %swap3A_277 = vector.load %arg7[%swap3A_272, %swap3A_273, %swap3A_274, %swap3A_275, %swap3A_276] : memref<1x8x16x8x128xf32, #tpu.memory_space<vmem>>, vector<1x8x1x8x128xf32>
      %swap3A_278 = vector.shape_cast %swap3A_277 : vector<1x8x1x8x128xf32> to vector<8x8x128xf32>
      %swap3A_279 = vector.shape_cast %reshape3A_271 : vector<8x8x128xf32> to vector<1x8x1x8x128xf32>
      tpu.vector_store %arg7[%swap3A_272, %swap3A_273, %swap3A_274, %swap3A_275, %swap3A_276], %swap3A_279 {strides = array<i32>} : memref<1x8x16x8x128xf32, #tpu.memory_space<vmem>>, vector<1x8x1x8x128xf32>,
      %broadcast_in_dim3A_280 = vector.shape_cast %get3A_14 : vector<64xf32> to vector<64x1xf32>
      %slice3A_281 = vector.extract_strided_slice %reshape3A {offsets = [14, 0], sizes = [1, 128], strides = [1, 1]} : vector<16x128xf32> to vector<1x128xf32>
      %squeeze3A_282 = vector.shape_cast %slice3A_281 : vector<1x128xf32> to vector<128xf32>
      %broadcast_in_dim3A_283 = vector.shape_cast %squeeze3A_282 : vector<128xf32> to vector<1x128xf32>
      %mul3A_284 = vector.broadcast %broadcast_in_dim3A_280 : vector<64x1xf32> to vector<64x128xf32>
      %mul3A_285 = vector.broadcast %broadcast_in_dim3A_283 : vector<1x128xf32> to vector<64x128xf32>
      %mul3A_286 = arith.mulf %mul3A_284, %mul3A_285 : vector<64x128xf32>
      %broadcast_in_dim3A_287 = vector.shape_cast %get3A_19 : vector<64xf32> to vector<64x1xf32>
      %add3A_288 = vector.broadcast %broadcast_in_dim3A_287 : vector<64x1xf32> to vector<64x128xf32>
      %add3A_289 = arith.addf %mul3A_286, %add3A_288 : vector<64x128xf32>
      %reshape3A_290 = vector.shape_cast %add3A_289 : vector<64x128xf32> to vector<8x8x128xf32>
      %swap3A_291 = arith.constant 0 : index
      %swap3A_292 = arith.constant 0 : index
      %swap3A_293 = arith.constant 14 : index
      %swap3A_294 = arith.constant 0 : index
      %swap3A_295 = arith.constant 0 : index
      %swap3A_296 = vector.load %arg7[%swap3A_291, %swap3A_292, %swap3A_293, %swap3A_294, %swap3A_295] : memref<1x8x16x8x128xf32, #tpu.memory_space<vmem>>, vector<1x8x1x8x128xf32>
      %swap3A_297 = vector.shape_cast %swap3A_296 : vector<1x8x1x8x128xf32> to vector<8x8x128xf32>
      %swap3A_298 = vector.shape_cast %reshape3A_290 : vector<8x8x128xf32> to vector<1x8x1x8x128xf32>
      tpu.vector_store %arg7[%swap3A_291, %swap3A_292, %swap3A_293, %swap3A_294, %swap3A_295], %swap3A_298 {strides = array<i32>} : memref<1x8x16x8x128xf32, #tpu.memory_space<vmem>>, vector<1x8x1x8x128xf32>,
      %broadcast_in_dim3A_299 = vector.shape_cast %get3A_14 : vector<64xf32> to vector<64x1xf32>
      %slice3A_300 = vector.extract_strided_slice %reshape3A {offsets = [15, 0], sizes = [1, 128], strides = [1, 1]} : vector<16x128xf32> to vector<1x128xf32>
      %squeeze3A_301 = vector.shape_cast %slice3A_300 : vector<1x128xf32> to vector<128xf32>
      %broadcast_in_dim3A_302 = vector.shape_cast %squeeze3A_301 : vector<128xf32> to vector<1x128xf32>
      %mul3A_303 = vector.broadcast %broadcast_in_dim3A_299 : vector<64x1xf32> to vector<64x128xf32>
      %mul3A_304 = vector.broadcast %broadcast_in_dim3A_302 : vector<1x128xf32> to vector<64x128xf32>
      %mul3A_305 = arith.mulf %mul3A_303, %mul3A_304 : vector<64x128xf32>
      %broadcast_in_dim3A_306 = vector.shape_cast %get3A_19 : vector<64xf32> to vector<64x1xf32>
      %add3A_307 = vector.broadcast %broadcast_in_dim3A_306 : vector<64x1xf32> to vector<64x128xf32>
      %add3A_308 = arith.addf %mul3A_305, %add3A_307 : vector<64x128xf32>
      %reshape3A_309 = vector.shape_cast %add3A_308 : vector<64x128xf32> to vector<8x8x128xf32>
      %swap3A_310 = arith.constant 0 : index
      %swap3A_311 = arith.constant 0 : index
      %swap3A_312 = arith.constant 15 : index
      %swap3A_313 = arith.constant 0 : index
      %swap3A_314 = arith.constant 0 : index
      %swap3A_315 = vector.load %arg7[%swap3A_310, %swap3A_311, %swap3A_312, %swap3A_313, %swap3A_314] : memref<1x8x16x8x128xf32, #tpu.memory_space<vmem>>, vector<1x8x1x8x128xf32>
      %swap3A_316 = vector.shape_cast %swap3A_315 : vector<1x8x1x8x128xf32> to vector<8x8x128xf32>
      %swap3A_317 = vector.shape_cast %reshape3A_309 : vector<8x8x128xf32> to vector<1x8x1x8x128xf32>
      tpu.vector_store %arg7[%swap3A_310, %swap3A_311, %swap3A_312, %swap3A_313, %swap3A_314], %swap3A_317 {strides = array<i32>} : memref<1x8x16x8x128xf32, #tpu.memory_space<vmem>>, vector<1x8x1x8x128xf32>,
    } else {
    }
    %ge3A = arith.constant 13 : i32
    %ge3A_2 = arith.cmpi sge, %arg0, %ge3A : i32
    %convert_element_type3A_3 = arith.extui %ge3A_2 : i1 to i32
    %cond3A_4 = arith.constant 0 : i32
    %cond3A_5 = arith.cmpi ne, %convert_element_type3A_3, %cond3A_4 : i32
    scf.if %cond3A_5 {
      %get3A = arith.constant 0 : index
      %get3A_6 = arith.constant 0 : index
      %get3A_7 = arith.constant 0 : index
      %get3A_8 = arith.constant 0 : index
      %get3A_9 = vector.load %arg2[%get3A, %get3A_6, %get3A_7, %get3A_8] : memref<1x128x8x128xf32, #tpu.memory_space<vmem>>, vector<1x128x8x128xf32>
      %get3A_10 = arith.constant 0 : index
      %get3A_11 = arith.constant 0 : index
      %get3A_12 = arith.constant 0 : index
      %get3A_13 = vector.load %arg6[%get3A_10, %get3A_11, %get3A_12] : memref<1x1x64xf32, #tpu.memory_space<vmem>>, vector<1x1x64xf32>
      %get3A_14 = vector.shape_cast %get3A_13 : vector<1x1x64xf32> to vector<64xf32>
      %slice3A = vector.extract_strided_slice %get3A_9 {offsets = [0, 0, 0, 0], sizes = [1, 16, 8, 128], strides = [1, 1, 1, 1]} : vector<1x128x8x128xf32> to vector<1x16x8x128xf32>
      %squeeze3A = vector.shape_cast %slice3A : vector<1x16x8x128xf32> to vector<16x8x128xf32>
      %reshape3A = vector.shape_cast %squeeze3A : vector<16x8x128xf32> to vector<128x128xf32>
      %transpose3A = tpu.transpose %reshape3A, [1, 0] : vector<128x128xf32> -> vector<128x128xf32>
      %slice3A_15 = vector.extract_strided_slice %transpose3A {offsets = [0, 0], sizes = [64, 64], strides = [1, 1]} : vector<128x128xf32> to vector<64x64xf32>
      %slice3A_16 = vector.extract_strided_slice %transpose3A {offsets = [64, 0], sizes = [64, 64], strides = [1, 1]} : vector<128x128xf32> to vector<64x64xf32>
      %concatenate3A = tpu.concatenate %slice3A_15, %slice3A_16 in 1 : vector<64x64xf32>, vector<64x64xf32> -> vector<64x128xf32>
      %slice3A_17 = vector.extract_strided_slice %transpose3A {offsets = [0, 64], sizes = [64, 64], strides = [1, 1]} : vector<128x128xf32> to vector<64x64xf32>
      %slice3A_18 = vector.extract_strided_slice %transpose3A {offsets = [64, 64], sizes = [64, 64], strides = [1, 1]} : vector<128x128xf32> to vector<64x64xf32>
      %concatenate3A_19 = tpu.concatenate %slice3A_17, %slice3A_18 in 1 : vector<64x64xf32>, vector<64x64xf32> -> vector<64x128xf32>
      %broadcast_in_dim3A = vector.shape_cast %get3A_14 : vector<64xf32> to vector<64x1xf32>
      %add3A = vector.broadcast %broadcast_in_dim3A : vector<64x1xf32> to vector<64x128xf32>
      %add3A_20 = arith.addf %concatenate3A, %add3A : vector<64x128xf32>
      %reshape3A_21 = vector.shape_cast %add3A_20 : vector<64x128xf32> to vector<8x8x128xf32>
      %swap3A = arith.constant 0 : index
      %swap3A_22 = arith.constant 0 : index
      %swap3A_23 = arith.constant 0 : index
      %swap3A_24 = arith.constant 0 : index
      %swap3A_25 = arith.constant 0 : index
      %swap3A_26 = vector.load %arg7[%swap3A, %swap3A_22, %swap3A_23, %swap3A_24, %swap3A_25] : memref<1x8x16x8x128xf32, #tpu.memory_space<vmem>>, vector<1x8x1x8x128xf32>
      %swap3A_27 = vector.shape_cast %swap3A_26 : vector<1x8x1x8x128xf32> to vector<8x8x128xf32>
      %swap3A_28 = vector.shape_cast %reshape3A_21 : vector<8x8x128xf32> to vector<1x8x1x8x128xf32>
      tpu.vector_store %arg7[%swap3A, %swap3A_22, %swap3A_23, %swap3A_24, %swap3A_25], %swap3A_28 {strides = array<i32>} : memref<1x8x16x8x128xf32, #tpu.memory_space<vmem>>, vector<1x8x1x8x128xf32>,
      %broadcast_in_dim3A_29 = vector.shape_cast %get3A_14 : vector<64xf32> to vector<64x1xf32>
      %add3A_30 = vector.broadcast %broadcast_in_dim3A_29 : vector<64x1xf32> to vector<64x128xf32>
      %add3A_31 = arith.addf %concatenate3A_19, %add3A_30 : vector<64x128xf32>
      %reshape3A_32 = vector.shape_cast %add3A_31 : vector<64x128xf32> to vector<8x8x128xf32>
      %swap3A_33 = arith.constant 0 : index
      %swap3A_34 = arith.constant 0 : index
      %swap3A_35 = arith.constant 1 : index
      %swap3A_36 = arith.constant 0 : index
      %swap3A_37 = arith.constant 0 : index
      %swap3A_38 = vector.load %arg7[%swap3A_33, %swap3A_34, %swap3A_35, %swap3A_36, %swap3A_37] : memref<1x8x16x8x128xf32, #tpu.memory_space<vmem>>, vector<1x8x1x8x128xf32>
      %swap3A_39 = vector.shape_cast %swap3A_38 : vector<1x8x1x8x128xf32> to vector<8x8x128xf32>
      %swap3A_40 = vector.shape_cast %reshape3A_32 : vector<8x8x128xf32> to vector<1x8x1x8x128xf32>
      tpu.vector_store %arg7[%swap3A_33, %swap3A_34, %swap3A_35, %swap3A_36, %swap3A_37], %swap3A_40 {strides = array<i32>} : memref<1x8x16x8x128xf32, #tpu.memory_space<vmem>>, vector<1x8x1x8x128xf32>,
      %slice3A_41 = vector.extract_strided_slice %get3A_9 {offsets = [0, 16, 0, 0], sizes = [1, 16, 8, 128], strides = [1, 1, 1, 1]} : vector<1x128x8x128xf32> to vector<1x16x8x128xf32>
      %squeeze3A_42 = vector.shape_cast %slice3A_41 : vector<1x16x8x128xf32> to vector<16x8x128xf32>
      %reshape3A_43 = vector.shape_cast %squeeze3A_42 : vector<16x8x128xf32> to vector<128x128xf32>
      %transpose3A_44 = tpu.transpose %reshape3A_43, [1, 0] : vector<128x128xf32> -> vector<128x128xf32>
      %slice3A_45 = vector.extract_strided_slice %transpose3A_44 {offsets = [0, 0], sizes = [64, 64], strides = [1, 1]} : vector<128x128xf32> to vector<64x64xf32>
      %slice3A_46 = vector.extract_strided_slice %transpose3A_44 {offsets = [64, 0], sizes = [64, 64], strides = [1, 1]} : vector<128x128xf32> to vector<64x64xf32>
      %concatenate3A_47 = tpu.concatenate %slice3A_45, %slice3A_46 in 1 : vector<64x64xf32>, vector<64x64xf32> -> vector<64x128xf32>
      %slice3A_48 = vector.extract_strided_slice %transpose3A_44 {offsets = [0, 64], sizes = [64, 64], strides = [1, 1]} : vector<128x128xf32> to vector<64x64xf32>
      %slice3A_49 = vector.extract_strided_slice %transpose3A_44 {offsets = [64, 64], sizes = [64, 64], strides = [1, 1]} : vector<128x128xf32> to vector<64x64xf32>
      %concatenate3A_50 = tpu.concatenate %slice3A_48, %slice3A_49 in 1 : vector<64x64xf32>, vector<64x64xf32> -> vector<64x128xf32>
      %broadcast_in_dim3A_51 = vector.shape_cast %get3A_14 : vector<64xf32> to vector<64x1xf32>
      %add3A_52 = vector.broadcast %broadcast_in_dim3A_51 : vector<64x1xf32> to vector<64x128xf32>
      %add3A_53 = arith.addf %concatenate3A_47, %add3A_52 : vector<64x128xf32>
      %reshape3A_54 = vector.shape_cast %add3A_53 : vector<64x128xf32> to vector<8x8x128xf32>
      %swap3A_55 = arith.constant 0 : index
      %swap3A_56 = arith.constant 0 : index
      %swap3A_57 = arith.constant 2 : index
      %swap3A_58 = arith.constant 0 : index
      %swap3A_59 = arith.constant 0 : index
      %swap3A_60 = vector.load %arg7[%swap3A_55, %swap3A_56, %swap3A_57, %swap3A_58, %swap3A_59] : memref<1x8x16x8x128xf32, #tpu.memory_space<vmem>>, vector<1x8x1x8x128xf32>
      %swap3A_61 = vector.shape_cast %swap3A_60 : vector<1x8x1x8x128xf32> to vector<8x8x128xf32>
      %swap3A_62 = vector.shape_cast %reshape3A_54 : vector<8x8x128xf32> to vector<1x8x1x8x128xf32>
      tpu.vector_store %arg7[%swap3A_55, %swap3A_56, %swap3A_57, %swap3A_58, %swap3A_59], %swap3A_62 {strides = array<i32>} : memref<1x8x16x8x128xf32, #tpu.memory_space<vmem>>, vector<1x8x1x8x128xf32>,
      %broadcast_in_dim3A_63 = vector.shape_cast %get3A_14 : vector<64xf32> to vector<64x1xf32>
      %add3A_64 = vector.broadcast %broadcast_in_dim3A_63 : vector<64x1xf32> to vector<64x128xf32>
      %add3A_65 = arith.addf %concatenate3A_50, %add3A_64 : vector<64x128xf32>
      %reshape3A_66 = vector.shape_cast %add3A_65 : vector<64x128xf32> to vector<8x8x128xf32>
      %swap3A_67 = arith.constant 0 : index
      %swap3A_68 = arith.constant 0 : index
      %swap3A_69 = arith.constant 3 : index
      %swap3A_70 = arith.constant 0 : index
      %swap3A_71 = arith.constant 0 : index
      %swap3A_72 = vector.load %arg7[%swap3A_67, %swap3A_68, %swap3A_69, %swap3A_70, %swap3A_71] : memref<1x8x16x8x128xf32, #tpu.memory_space<vmem>>, vector<1x8x1x8x128xf32>
      %swap3A_73 = vector.shape_cast %swap3A_72 : vector<1x8x1x8x128xf32> to vector<8x8x128xf32>
      %swap3A_74 = vector.shape_cast %reshape3A_66 : vector<8x8x128xf32> to vector<1x8x1x8x128xf32>
      tpu.vector_store %arg7[%swap3A_67, %swap3A_68, %swap3A_69, %swap3A_70, %swap3A_71], %swap3A_74 {strides = array<i32>} : memref<1x8x16x8x128xf32, #tpu.memory_space<vmem>>, vector<1x8x1x8x128xf32>,
      %slice3A_75 = vector.extract_strided_slice %get3A_9 {offsets = [0, 32, 0, 0], sizes = [1, 16, 8, 128], strides = [1, 1, 1, 1]} : vector<1x128x8x128xf32> to vector<1x16x8x128xf32>
      %squeeze3A_76 = vector.shape_cast %slice3A_75 : vector<1x16x8x128xf32> to vector<16x8x128xf32>
      %reshape3A_77 = vector.shape_cast %squeeze3A_76 : vector<16x8x128xf32> to vector<128x128xf32>
      %transpose3A_78 = tpu.transpose %reshape3A_77, [1, 0] : vector<128x128xf32> -> vector<128x128xf32>
      %slice3A_79 = vector.extract_strided_slice %transpose3A_78 {offsets = [0, 0], sizes = [64, 64], strides = [1, 1]} : vector<128x128xf32> to vector<64x64xf32>
      %slice3A_80 = vector.extract_strided_slice %transpose3A_78 {offsets = [64, 0], sizes = [64, 64], strides = [1, 1]} : vector<128x128xf32> to vector<64x64xf32>
      %concatenate3A_81 = tpu.concatenate %slice3A_79, %slice3A_80 in 1 : vector<64x64xf32>, vector<64x64xf32> -> vector<64x128xf32>
      %slice3A_82 = vector.extract_strided_slice %transpose3A_78 {offsets = [0, 64], sizes = [64, 64], strides = [1, 1]} : vector<128x128xf32> to vector<64x64xf32>
      %slice3A_83 = vector.extract_strided_slice %transpose3A_78 {offsets = [64, 64], sizes = [64, 64], strides = [1, 1]} : vector<128x128xf32> to vector<64x64xf32>
      %concatenate3A_84 = tpu.concatenate %slice3A_82, %slice3A_83 in 1 : vector<64x64xf32>, vector<64x64xf32> -> vector<64x128xf32>
      %broadcast_in_dim3A_85 = vector.shape_cast %get3A_14 : vector<64xf32> to vector<64x1xf32>
      %add3A_86 = vector.broadcast %broadcast_in_dim3A_85 : vector<64x1xf32> to vector<64x128xf32>
      %add3A_87 = arith.addf %concatenate3A_81, %add3A_86 : vector<64x128xf32>
      %reshape3A_88 = vector.shape_cast %add3A_87 : vector<64x128xf32> to vector<8x8x128xf32>
      %swap3A_89 = arith.constant 0 : index
      %swap3A_90 = arith.constant 0 : index
      %swap3A_91 = arith.constant 4 : index
      %swap3A_92 = arith.constant 0 : index
      %swap3A_93 = arith.constant 0 : index
      %swap3A_94 = vector.load %arg7[%swap3A_89, %swap3A_90, %swap3A_91, %swap3A_92, %swap3A_93] : memref<1x8x16x8x128xf32, #tpu.memory_space<vmem>>, vector<1x8x1x8x128xf32>
      %swap3A_95 = vector.shape_cast %swap3A_94 : vector<1x8x1x8x128xf32> to vector<8x8x128xf32>
      %swap3A_96 = vector.shape_cast %reshape3A_88 : vector<8x8x128xf32> to vector<1x8x1x8x128xf32>
      tpu.vector_store %arg7[%swap3A_89, %swap3A_90, %swap3A_91, %swap3A_92, %swap3A_93], %swap3A_96 {strides = array<i32>} : memref<1x8x16x8x128xf32, #tpu.memory_space<vmem>>, vector<1x8x1x8x128xf32>,
      %broadcast_in_dim3A_97 = vector.shape_cast %get3A_14 : vector<64xf32> to vector<64x1xf32>
      %add3A_98 = vector.broadcast %broadcast_in_dim3A_97 : vector<64x1xf32> to vector<64x128xf32>
      %add3A_99 = arith.addf %concatenate3A_84, %add3A_98 : vector<64x128xf32>
      %reshape3A_100 = vector.shape_cast %add3A_99 : vector<64x128xf32> to vector<8x8x128xf32>
      %swap3A_101 = arith.constant 0 : index
      %swap3A_102 = arith.constant 0 : index
      %swap3A_103 = arith.constant 5 : index
      %swap3A_104 = arith.constant 0 : index
      %swap3A_105 = arith.constant 0 : index
      %swap3A_106 = vector.load %arg7[%swap3A_101, %swap3A_102, %swap3A_103, %swap3A_104, %swap3A_105] : memref<1x8x16x8x128xf32, #tpu.memory_space<vmem>>, vector<1x8x1x8x128xf32>
      %swap3A_107 = vector.shape_cast %swap3A_106 : vector<1x8x1x8x128xf32> to vector<8x8x128xf32>
      %swap3A_108 = vector.shape_cast %reshape3A_100 : vector<8x8x128xf32> to vector<1x8x1x8x128xf32>
      tpu.vector_store %arg7[%swap3A_101, %swap3A_102, %swap3A_103, %swap3A_104, %swap3A_105], %swap3A_108 {strides = array<i32>} : memref<1x8x16x8x128xf32, #tpu.memory_space<vmem>>, vector<1x8x1x8x128xf32>,
      %slice3A_109 = vector.extract_strided_slice %get3A_9 {offsets = [0, 48, 0, 0], sizes = [1, 16, 8, 128], strides = [1, 1, 1, 1]} : vector<1x128x8x128xf32> to vector<1x16x8x128xf32>
      %squeeze3A_110 = vector.shape_cast %slice3A_109 : vector<1x16x8x128xf32> to vector<16x8x128xf32>
      %reshape3A_111 = vector.shape_cast %squeeze3A_110 : vector<16x8x128xf32> to vector<128x128xf32>
      %transpose3A_112 = tpu.transpose %reshape3A_111, [1, 0] : vector<128x128xf32> -> vector<128x128xf32>
      %slice3A_113 = vector.extract_strided_slice %transpose3A_112 {offsets = [0, 0], sizes = [64, 64], strides = [1, 1]} : vector<128x128xf32> to vector<64x64xf32>
      %slice3A_114 = vector.extract_strided_slice %transpose3A_112 {offsets = [64, 0], sizes = [64, 64], strides = [1, 1]} : vector<128x128xf32> to vector<64x64xf32>
      %concatenate3A_115 = tpu.concatenate %slice3A_113, %slice3A_114 in 1 : vector<64x64xf32>, vector<64x64xf32> -> vector<64x128xf32>
      %slice3A_116 = vector.extract_strided_slice %transpose3A_112 {offsets = [0, 64], sizes = [64, 64], strides = [1, 1]} : vector<128x128xf32> to vector<64x64xf32>
      %slice3A_117 = vector.extract_strided_slice %transpose3A_112 {offsets = [64, 64], sizes = [64, 64], strides = [1, 1]} : vector<128x128xf32> to vector<64x64xf32>
      %concatenate3A_118 = tpu.concatenate %slice3A_116, %slice3A_117 in 1 : vector<64x64xf32>, vector<64x64xf32> -> vector<64x128xf32>
      %broadcast_in_dim3A_119 = vector.shape_cast %get3A_14 : vector<64xf32> to vector<64x1xf32>
      %add3A_120 = vector.broadcast %broadcast_in_dim3A_119 : vector<64x1xf32> to vector<64x128xf32>
      %add3A_121 = arith.addf %concatenate3A_115, %add3A_120 : vector<64x128xf32>
      %reshape3A_122 = vector.shape_cast %add3A_121 : vector<64x128xf32> to vector<8x8x128xf32>
      %swap3A_123 = arith.constant 0 : index
      %swap3A_124 = arith.constant 0 : index
      %swap3A_125 = arith.constant 6 : index
      %swap3A_126 = arith.constant 0 : index
      %swap3A_127 = arith.constant 0 : index
      %swap3A_128 = vector.load %arg7[%swap3A_123, %swap3A_124, %swap3A_125, %swap3A_126, %swap3A_127] : memref<1x8x16x8x128xf32, #tpu.memory_space<vmem>>, vector<1x8x1x8x128xf32>
      %swap3A_129 = vector.shape_cast %swap3A_128 : vector<1x8x1x8x128xf32> to vector<8x8x128xf32>
      %swap3A_130 = vector.shape_cast %reshape3A_122 : vector<8x8x128xf32> to vector<1x8x1x8x128xf32>
      tpu.vector_store %arg7[%swap3A_123, %swap3A_124, %swap3A_125, %swap3A_126, %swap3A_127], %swap3A_130 {strides = array<i32>} : memref<1x8x16x8x128xf32, #tpu.memory_space<vmem>>, vector<1x8x1x8x128xf32>,
      %broadcast_in_dim3A_131 = vector.shape_cast %get3A_14 : vector<64xf32> to vector<64x1xf32>
      %add3A_132 = vector.broadcast %broadcast_in_dim3A_131 : vector<64x1xf32> to vector<64x128xf32>
      %add3A_133 = arith.addf %concatenate3A_118, %add3A_132 : vector<64x128xf32>
      %reshape3A_134 = vector.shape_cast %add3A_133 : vector<64x128xf32> to vector<8x8x128xf32>
      %swap3A_135 = arith.constant 0 : index
      %swap3A_136 = arith.constant 0 : index
      %swap3A_137 = arith.constant 7 : index
      %swap3A_138 = arith.constant 0 : index
      %swap3A_139 = arith.constant 0 : index
      %swap3A_140 = vector.load %arg7[%swap3A_135, %swap3A_136, %swap3A_137, %swap3A_138, %swap3A_139] : memref<1x8x16x8x128xf32, #tpu.memory_space<vmem>>, vector<1x8x1x8x128xf32>
      %swap3A_141 = vector.shape_cast %swap3A_140 : vector<1x8x1x8x128xf32> to vector<8x8x128xf32>
      %swap3A_142 = vector.shape_cast %reshape3A_134 : vector<8x8x128xf32> to vector<1x8x1x8x128xf32>
      tpu.vector_store %arg7[%swap3A_135, %swap3A_136, %swap3A_137, %swap3A_138, %swap3A_139], %swap3A_142 {strides = array<i32>} : memref<1x8x16x8x128xf32, #tpu.memory_space<vmem>>, vector<1x8x1x8x128xf32>,
      %slice3A_143 = vector.extract_strided_slice %get3A_9 {offsets = [0, 64, 0, 0], sizes = [1, 16, 8, 128], strides = [1, 1, 1, 1]} : vector<1x128x8x128xf32> to vector<1x16x8x128xf32>
      %squeeze3A_144 = vector.shape_cast %slice3A_143 : vector<1x16x8x128xf32> to vector<16x8x128xf32>
      %reshape3A_145 = vector.shape_cast %squeeze3A_144 : vector<16x8x128xf32> to vector<128x128xf32>
      %transpose3A_146 = tpu.transpose %reshape3A_145, [1, 0] : vector<128x128xf32> -> vector<128x128xf32>
      %slice3A_147 = vector.extract_strided_slice %transpose3A_146 {offsets = [0, 0], sizes = [64, 64], strides = [1, 1]} : vector<128x128xf32> to vector<64x64xf32>
      %slice3A_148 = vector.extract_strided_slice %transpose3A_146 {offsets = [64, 0], sizes = [64, 64], strides = [1, 1]} : vector<128x128xf32> to vector<64x64xf32>
      %concatenate3A_149 = tpu.concatenate %slice3A_147, %slice3A_148 in 1 : vector<64x64xf32>, vector<64x64xf32> -> vector<64x128xf32>
      %slice3A_150 = vector.extract_strided_slice %transpose3A_146 {offsets = [0, 64], sizes = [64, 64], strides = [1, 1]} : vector<128x128xf32> to vector<64x64xf32>
      %slice3A_151 = vector.extract_strided_slice %transpose3A_146 {offsets = [64, 64], sizes = [64, 64], strides = [1, 1]} : vector<128x128xf32> to vector<64x64xf32>
      %concatenate3A_152 = tpu.concatenate %slice3A_150, %slice3A_151 in 1 : vector<64x64xf32>, vector<64x64xf32> -> vector<64x128xf32>
      %broadcast_in_dim3A_153 = vector.shape_cast %get3A_14 : vector<64xf32> to vector<64x1xf32>
      %add3A_154 = vector.broadcast %broadcast_in_dim3A_153 : vector<64x1xf32> to vector<64x128xf32>
      %add3A_155 = arith.addf %concatenate3A_149, %add3A_154 : vector<64x128xf32>
      %reshape3A_156 = vector.shape_cast %add3A_155 : vector<64x128xf32> to vector<8x8x128xf32>
      %swap3A_157 = arith.constant 0 : index
      %swap3A_158 = arith.constant 0 : index
      %swap3A_159 = arith.constant 8 : index
      %swap3A_160 = arith.constant 0 : index
      %swap3A_161 = arith.constant 0 : index
      %swap3A_162 = vector.load %arg7[%swap3A_157, %swap3A_158, %swap3A_159, %swap3A_160, %swap3A_161] : memref<1x8x16x8x128xf32, #tpu.memory_space<vmem>>, vector<1x8x1x8x128xf32>
      %swap3A_163 = vector.shape_cast %swap3A_162 : vector<1x8x1x8x128xf32> to vector<8x8x128xf32>
      %swap3A_164 = vector.shape_cast %reshape3A_156 : vector<8x8x128xf32> to vector<1x8x1x8x128xf32>
      tpu.vector_store %arg7[%swap3A_157, %swap3A_158, %swap3A_159, %swap3A_160, %swap3A_161], %swap3A_164 {strides = array<i32>} : memref<1x8x16x8x128xf32, #tpu.memory_space<vmem>>, vector<1x8x1x8x128xf32>,
      %broadcast_in_dim3A_165 = vector.shape_cast %get3A_14 : vector<64xf32> to vector<64x1xf32>
      %add3A_166 = vector.broadcast %broadcast_in_dim3A_165 : vector<64x1xf32> to vector<64x128xf32>
      %add3A_167 = arith.addf %concatenate3A_152, %add3A_166 : vector<64x128xf32>
      %reshape3A_168 = vector.shape_cast %add3A_167 : vector<64x128xf32> to vector<8x8x128xf32>
      %swap3A_169 = arith.constant 0 : index
      %swap3A_170 = arith.constant 0 : index
      %swap3A_171 = arith.constant 9 : index
      %swap3A_172 = arith.constant 0 : index
      %swap3A_173 = arith.constant 0 : index
      %swap3A_174 = vector.load %arg7[%swap3A_169, %swap3A_170, %swap3A_171, %swap3A_172, %swap3A_173] : memref<1x8x16x8x128xf32, #tpu.memory_space<vmem>>, vector<1x8x1x8x128xf32>
      %swap3A_175 = vector.shape_cast %swap3A_174 : vector<1x8x1x8x128xf32> to vector<8x8x128xf32>
      %swap3A_176 = vector.shape_cast %reshape3A_168 : vector<8x8x128xf32> to vector<1x8x1x8x128xf32>
      tpu.vector_store %arg7[%swap3A_169, %swap3A_170, %swap3A_171, %swap3A_172, %swap3A_173], %swap3A_176 {strides = array<i32>} : memref<1x8x16x8x128xf32, #tpu.memory_space<vmem>>, vector<1x8x1x8x128xf32>,
      %slice3A_177 = vector.extract_strided_slice %get3A_9 {offsets = [0, 80, 0, 0], sizes = [1, 16, 8, 128], strides = [1, 1, 1, 1]} : vector<1x128x8x128xf32> to vector<1x16x8x128xf32>
      %squeeze3A_178 = vector.shape_cast %slice3A_177 : vector<1x16x8x128xf32> to vector<16x8x128xf32>
      %reshape3A_179 = vector.shape_cast %squeeze3A_178 : vector<16x8x128xf32> to vector<128x128xf32>
      %transpose3A_180 = tpu.transpose %reshape3A_179, [1, 0] : vector<128x128xf32> -> vector<128x128xf32>
      %slice3A_181 = vector.extract_strided_slice %transpose3A_180 {offsets = [0, 0], sizes = [64, 64], strides = [1, 1]} : vector<128x128xf32> to vector<64x64xf32>
      %slice3A_182 = vector.extract_strided_slice %transpose3A_180 {offsets = [64, 0], sizes = [64, 64], strides = [1, 1]} : vector<128x128xf32> to vector<64x64xf32>
      %concatenate3A_183 = tpu.concatenate %slice3A_181, %slice3A_182 in 1 : vector<64x64xf32>, vector<64x64xf32> -> vector<64x128xf32>
      %slice3A_184 = vector.extract_strided_slice %transpose3A_180 {offsets = [0, 64], sizes = [64, 64], strides = [1, 1]} : vector<128x128xf32> to vector<64x64xf32>
      %slice3A_185 = vector.extract_strided_slice %transpose3A_180 {offsets = [64, 64], sizes = [64, 64], strides = [1, 1]} : vector<128x128xf32> to vector<64x64xf32>
      %concatenate3A_186 = tpu.concatenate %slice3A_184, %slice3A_185 in 1 : vector<64x64xf32>, vector<64x64xf32> -> vector<64x128xf32>
      %broadcast_in_dim3A_187 = vector.shape_cast %get3A_14 : vector<64xf32> to vector<64x1xf32>
      %add3A_188 = vector.broadcast %broadcast_in_dim3A_187 : vector<64x1xf32> to vector<64x128xf32>
      %add3A_189 = arith.addf %concatenate3A_183, %add3A_188 : vector<64x128xf32>
      %reshape3A_190 = vector.shape_cast %add3A_189 : vector<64x128xf32> to vector<8x8x128xf32>
      %swap3A_191 = arith.constant 0 : index
      %swap3A_192 = arith.constant 0 : index
      %swap3A_193 = arith.constant 10 : index
      %swap3A_194 = arith.constant 0 : index
      %swap3A_195 = arith.constant 0 : index
      %swap3A_196 = vector.load %arg7[%swap3A_191, %swap3A_192, %swap3A_193, %swap3A_194, %swap3A_195] : memref<1x8x16x8x128xf32, #tpu.memory_space<vmem>>, vector<1x8x1x8x128xf32>
      %swap3A_197 = vector.shape_cast %swap3A_196 : vector<1x8x1x8x128xf32> to vector<8x8x128xf32>
      %swap3A_198 = vector.shape_cast %reshape3A_190 : vector<8x8x128xf32> to vector<1x8x1x8x128xf32>
      tpu.vector_store %arg7[%swap3A_191, %swap3A_192, %swap3A_193, %swap3A_194, %swap3A_195], %swap3A_198 {strides = array<i32>} : memref<1x8x16x8x128xf32, #tpu.memory_space<vmem>>, vector<1x8x1x8x128xf32>,
      %broadcast_in_dim3A_199 = vector.shape_cast %get3A_14 : vector<64xf32> to vector<64x1xf32>
      %add3A_200 = vector.broadcast %broadcast_in_dim3A_199 : vector<64x1xf32> to vector<64x128xf32>
      %add3A_201 = arith.addf %concatenate3A_186, %add3A_200 : vector<64x128xf32>
      %reshape3A_202 = vector.shape_cast %add3A_201 : vector<64x128xf32> to vector<8x8x128xf32>
      %swap3A_203 = arith.constant 0 : index
      %swap3A_204 = arith.constant 0 : index
      %swap3A_205 = arith.constant 11 : index
      %swap3A_206 = arith.constant 0 : index
      %swap3A_207 = arith.constant 0 : index
      %swap3A_208 = vector.load %arg7[%swap3A_203, %swap3A_204, %swap3A_205, %swap3A_206, %swap3A_207] : memref<1x8x16x8x128xf32, #tpu.memory_space<vmem>>, vector<1x8x1x8x128xf32>
      %swap3A_209 = vector.shape_cast %swap3A_208 : vector<1x8x1x8x128xf32> to vector<8x8x128xf32>
      %swap3A_210 = vector.shape_cast %reshape3A_202 : vector<8x8x128xf32> to vector<1x8x1x8x128xf32>
      tpu.vector_store %arg7[%swap3A_203, %swap3A_204, %swap3A_205, %swap3A_206, %swap3A_207], %swap3A_210 {strides = array<i32>} : memref<1x8x16x8x128xf32, #tpu.memory_space<vmem>>, vector<1x8x1x8x128xf32>,
      %slice3A_211 = vector.extract_strided_slice %get3A_9 {offsets = [0, 96, 0, 0], sizes = [1, 16, 8, 128], strides = [1, 1, 1, 1]} : vector<1x128x8x128xf32> to vector<1x16x8x128xf32>
      %squeeze3A_212 = vector.shape_cast %slice3A_211 : vector<1x16x8x128xf32> to vector<16x8x128xf32>
      %reshape3A_213 = vector.shape_cast %squeeze3A_212 : vector<16x8x128xf32> to vector<128x128xf32>
      %transpose3A_214 = tpu.transpose %reshape3A_213, [1, 0] : vector<128x128xf32> -> vector<128x128xf32>
      %slice3A_215 = vector.extract_strided_slice %transpose3A_214 {offsets = [0, 0], sizes = [64, 64], strides = [1, 1]} : vector<128x128xf32> to vector<64x64xf32>
      %slice3A_216 = vector.extract_strided_slice %transpose3A_214 {offsets = [64, 0], sizes = [64, 64], strides = [1, 1]} : vector<128x128xf32> to vector<64x64xf32>
      %concatenate3A_217 = tpu.concatenate %slice3A_215, %slice3A_216 in 1 : vector<64x64xf32>, vector<64x64xf32> -> vector<64x128xf32>
      %slice3A_218 = vector.extract_strided_slice %transpose3A_214 {offsets = [0, 64], sizes = [64, 64], strides = [1, 1]} : vector<128x128xf32> to vector<64x64xf32>
      %slice3A_219 = vector.extract_strided_slice %transpose3A_214 {offsets = [64, 64], sizes = [64, 64], strides = [1, 1]} : vector<128x128xf32> to vector<64x64xf32>
      %concatenate3A_220 = tpu.concatenate %slice3A_218, %slice3A_219 in 1 : vector<64x64xf32>, vector<64x64xf32> -> vector<64x128xf32>
      %broadcast_in_dim3A_221 = vector.shape_cast %get3A_14 : vector<64xf32> to vector<64x1xf32>
      %add3A_222 = vector.broadcast %broadcast_in_dim3A_221 : vector<64x1xf32> to vector<64x128xf32>
      %add3A_223 = arith.addf %concatenate3A_217, %add3A_222 : vector<64x128xf32>
      %reshape3A_224 = vector.shape_cast %add3A_223 : vector<64x128xf32> to vector<8x8x128xf32>
      %swap3A_225 = arith.constant 0 : index
      %swap3A_226 = arith.constant 0 : index
      %swap3A_227 = arith.constant 12 : index
      %swap3A_228 = arith.constant 0 : index
      %swap3A_229 = arith.constant 0 : index
      %swap3A_230 = vector.load %arg7[%swap3A_225, %swap3A_226, %swap3A_227, %swap3A_228, %swap3A_229] : memref<1x8x16x8x128xf32, #tpu.memory_space<vmem>>, vector<1x8x1x8x128xf32>
      %swap3A_231 = vector.shape_cast %swap3A_230 : vector<1x8x1x8x128xf32> to vector<8x8x128xf32>
      %swap3A_232 = vector.shape_cast %reshape3A_224 : vector<8x8x128xf32> to vector<1x8x1x8x128xf32>
      tpu.vector_store %arg7[%swap3A_225, %swap3A_226, %swap3A_227, %swap3A_228, %swap3A_229], %swap3A_232 {strides = array<i32>} : memref<1x8x16x8x128xf32, #tpu.memory_space<vmem>>, vector<1x8x1x8x128xf32>,
      %broadcast_in_dim3A_233 = vector.shape_cast %get3A_14 : vector<64xf32> to vector<64x1xf32>
      %add3A_234 = vector.broadcast %broadcast_in_dim3A_233 : vector<64x1xf32> to vector<64x128xf32>
      %add3A_235 = arith.addf %concatenate3A_220, %add3A_234 : vector<64x128xf32>
      %reshape3A_236 = vector.shape_cast %add3A_235 : vector<64x128xf32> to vector<8x8x128xf32>
      %swap3A_237 = arith.constant 0 : index
      %swap3A_238 = arith.constant 0 : index
      %swap3A_239 = arith.constant 13 : index
      %swap3A_240 = arith.constant 0 : index
      %swap3A_241 = arith.constant 0 : index
      %swap3A_242 = vector.load %arg7[%swap3A_237, %swap3A_238, %swap3A_239, %swap3A_240, %swap3A_241] : memref<1x8x16x8x128xf32, #tpu.memory_space<vmem>>, vector<1x8x1x8x128xf32>
      %swap3A_243 = vector.shape_cast %swap3A_242 : vector<1x8x1x8x128xf32> to vector<8x8x128xf32>
      %swap3A_244 = vector.shape_cast %reshape3A_236 : vector<8x8x128xf32> to vector<1x8x1x8x128xf32>
      tpu.vector_store %arg7[%swap3A_237, %swap3A_238, %swap3A_239, %swap3A_240, %swap3A_241], %swap3A_244 {strides = array<i32>} : memref<1x8x16x8x128xf32, #tpu.memory_space<vmem>>, vector<1x8x1x8x128xf32>,
      %slice3A_245 = vector.extract_strided_slice %get3A_9 {offsets = [0, 112, 0, 0], sizes = [1, 16, 8, 128], strides = [1, 1, 1, 1]} : vector<1x128x8x128xf32> to vector<1x16x8x128xf32>
      %squeeze3A_246 = vector.shape_cast %slice3A_245 : vector<1x16x8x128xf32> to vector<16x8x128xf32>
      %reshape3A_247 = vector.shape_cast %squeeze3A_246 : vector<16x8x128xf32> to vector<128x128xf32>
      %transpose3A_248 = tpu.transpose %reshape3A_247, [1, 0] : vector<128x128xf32> -> vector<128x128xf32>
      %slice3A_249 = vector.extract_strided_slice %transpose3A_248 {offsets = [0, 0], sizes = [64, 64], strides = [1, 1]} : vector<128x128xf32> to vector<64x64xf32>
      %slice3A_250 = vector.extract_strided_slice %transpose3A_248 {offsets = [64, 0], sizes = [64, 64], strides = [1, 1]} : vector<128x128xf32> to vector<64x64xf32>
      %concatenate3A_251 = tpu.concatenate %slice3A_249, %slice3A_250 in 1 : vector<64x64xf32>, vector<64x64xf32> -> vector<64x128xf32>
      %slice3A_252 = vector.extract_strided_slice %transpose3A_248 {offsets = [0, 64], sizes = [64, 64], strides = [1, 1]} : vector<128x128xf32> to vector<64x64xf32>
      %slice3A_253 = vector.extract_strided_slice %transpose3A_248 {offsets = [64, 64], sizes = [64, 64], strides = [1, 1]} : vector<128x128xf32> to vector<64x64xf32>
      %concatenate3A_254 = tpu.concatenate %slice3A_252, %slice3A_253 in 1 : vector<64x64xf32>, vector<64x64xf32> -> vector<64x128xf32>
      %broadcast_in_dim3A_255 = vector.shape_cast %get3A_14 : vector<64xf32> to vector<64x1xf32>
      %add3A_256 = vector.broadcast %broadcast_in_dim3A_255 : vector<64x1xf32> to vector<64x128xf32>
      %add3A_257 = arith.addf %concatenate3A_251, %add3A_256 : vector<64x128xf32>
      %reshape3A_258 = vector.shape_cast %add3A_257 : vector<64x128xf32> to vector<8x8x128xf32>
      %swap3A_259 = arith.constant 0 : index
      %swap3A_260 = arith.constant 0 : index
      %swap3A_261 = arith.constant 14 : index
      %swap3A_262 = arith.constant 0 : index
      %swap3A_263 = arith.constant 0 : index
      %swap3A_264 = vector.load %arg7[%swap3A_259, %swap3A_260, %swap3A_261, %swap3A_262, %swap3A_263] : memref<1x8x16x8x128xf32, #tpu.memory_space<vmem>>, vector<1x8x1x8x128xf32>
      %swap3A_265 = vector.shape_cast %swap3A_264 : vector<1x8x1x8x128xf32> to vector<8x8x128xf32>
      %swap3A_266 = vector.shape_cast %reshape3A_258 : vector<8x8x128xf32> to vector<1x8x1x8x128xf32>
      tpu.vector_store %arg7[%swap3A_259, %swap3A_260, %swap3A_261, %swap3A_262, %swap3A_263], %swap3A_266 {strides = array<i32>} : memref<1x8x16x8x128xf32, #tpu.memory_space<vmem>>, vector<1x8x1x8x128xf32>,
      %broadcast_in_dim3A_267 = vector.shape_cast %get3A_14 : vector<64xf32> to vector<64x1xf32>
      %add3A_268 = vector.broadcast %broadcast_in_dim3A_267 : vector<64x1xf32> to vector<64x128xf32>
      %add3A_269 = arith.addf %concatenate3A_254, %add3A_268 : vector<64x128xf32>
      %reshape3A_270 = vector.shape_cast %add3A_269 : vector<64x128xf32> to vector<8x8x128xf32>
      %swap3A_271 = arith.constant 0 : index
      %swap3A_272 = arith.constant 0 : index
      %swap3A_273 = arith.constant 15 : index
      %swap3A_274 = arith.constant 0 : index
      %swap3A_275 = arith.constant 0 : index
      %swap3A_276 = vector.load %arg7[%swap3A_271, %swap3A_272, %swap3A_273, %swap3A_274, %swap3A_275] : memref<1x8x16x8x128xf32, #tpu.memory_space<vmem>>, vector<1x8x1x8x128xf32>
      %swap3A_277 = vector.shape_cast %swap3A_276 : vector<1x8x1x8x128xf32> to vector<8x8x128xf32>
      %swap3A_278 = vector.shape_cast %reshape3A_270 : vector<8x8x128xf32> to vector<1x8x1x8x128xf32>
      tpu.vector_store %arg7[%swap3A_271, %swap3A_272, %swap3A_273, %swap3A_274, %swap3A_275], %swap3A_278 {strides = array<i32>} : memref<1x8x16x8x128xf32, #tpu.memory_space<vmem>>, vector<1x8x1x8x128xf32>,
    } else {
    }
    return
  }
  func.func @transform_0(%arg0: i32, %arg1: i32) -> (i32, i32, i32, i32) {
    %sub3A = arith.constant 13 : i32
    %sub3A_0 = arith.subi %arg0, %sub3A : i32
    %max3A = arith.constant 0 : i32
    %max3A_1 = arith.maxsi %sub3A_0, %max3A : i32
    %c0_i32 = arith.constant 0 : i32
    %c0_i32_2 = arith.constant 0 : i32
    %c0_i32_3 = arith.constant 0 : i32
    return %max3A_1, %arg1, %c0_i32, %c0_i32_2 : i32, i32, i32, i32
  }
  func.func @transform_1(%arg0: i32, %arg1: i32) -> (i32, i32, i32) {
    %min3A = arith.constant 12 : i32
    %min3A_0 = arith.minsi %arg0, %min3A : i32
    %c0_i32 = arith.constant 0 : i32
    %c0_i32_1 = arith.constant 0 : i32
    return %min3A_0, %c0_i32, %arg1 : i32, i32, i32
  }
  func.func @transform_2(%arg0: i32, %arg1: i32) -> (i32, i32, i32) {
    %min3A = arith.constant 12 : i32
    %min3A_0 = arith.minsi %arg0, %min3A : i32
    %c0_i32 = arith.constant 0 : i32
    %c0_i32_1 = arith.constant 0 : i32
    %c0_i32_2 = arith.constant 0 : i32
    return %min3A_0, %c0_i32, %c0_i32_1 : i32, i32, i32
  }
  func.func @transform_3(%arg0: i32, %arg1: i32) -> (i32, i32, i32) {
    %min3A = arith.constant 12 : i32
    %min3A_0 = arith.minsi %arg0, %min3A : i32
    %c0_i32 = arith.constant 0 : i32
    %c0_i32_1 = arith.constant 0 : i32
    %c0_i32_2 = arith.constant 0 : i32
    return %min3A_0, %c0_i32, %c0_i32_1 : i32, i32, i32
  }
  func.func @transform_4(%arg0: i32, %arg1: i32) -> (i32, i32, i32) {
    %sub3A = arith.constant 13 : i32
    %sub3A_0 = arith.subi %arg0, %sub3A : i32
    %max3A = arith.constant 0 : i32
    %max3A_1 = arith.maxsi %sub3A_0, %max3A : i32
    %c0_i32 = arith.constant 0 : i32
    %c0_i32_2 = arith.constant 0 : i32
    %c0_i32_3 = arith.constant 0 : i32
    return %max3A_1, %c0_i32, %c0_i32_2 : i32, i32, i32
  }
  func.func @transform_5(%arg0: i32, %arg1: i32) -> (i32, i32, i32, i32, i32) {
    %c0_i32 = arith.constant 0 : i32
    %c0_i32_0 = arith.constant 0 : i32
    %c0_i32_1 = arith.constant 0 : i32
    %c0_i32_2 = arith.constant 0 : i32
    return %arg0, %c0_i32, %arg1, %c0_i32_0, %c0_i32_1 : i32, i32, i32, i32, i32
  }
}

</mosaic_0001>

<sc_bundles>
// kernel: kernel.4.cloned.1.call-start
scs
__scs_entry_jumppad:
0x0: {  	(pc) =	sbr.rel $0x88, $3  }
0x1: {  	(tag) =	ssettag $0x0;
	lr =	simm.s32 $0x1  }
0x2: {  	[smem:$0x3F9B] =	sst lr;
	_ =	strace $0xD0000000  }
0x3: {  	_ = 	snop  }
0x4: {  	_ = 	snop  }
0x5: {  	_ = 	snop  }
0x6: {  	_ = 	snop  }
0x7: {  	_ = 	snop  }
__scs_overlays_trampoline_lowered:
0x8: {  	[smem:$0x3FAA] =	sst s0  }
0x9: {  	[smem:$0x3FAB] =	sst s1  }
0xa: {  	[smem:$0x3FAC] =	sst s2  }
0xb: {  	[smem:$0x3FAD] =	sst s3  }
0xc: {  	[smem:$0x3FAE] =	sst s4  }
0xd: {  	[smem:$0x3FAF] =	sst s5  }
0xe: {  	[smem:$0x3FB0] =	sst s6  }
0xf: {  	[smem:$0x3FB1] =	sst s7  }
0x10: {  	[smem:$0x3FB2] =	sst s8  }
0x11: {  	[smem:$0x3FB3] =	sst s9;
	s0 =	simm.s32 @!p0 $0x0  }
0x12: {  	s1 =	sld [smem:$0x3F99];
	s0 =	simm.s32 @p0 $0x1  }
0x13: {  	[smem:$0x3FB4] =	sst s0;
	s0 =	simm.s32 @!p1 $0x0  }
0x14: {  	s2 =	sld [smem:$0x3F98];
	s0 =	simm.s32 @p1 $0x1  }
0x15: {  	[smem:$0x3FB5] =	sst s0;
	s0 =	simm.s32 @!p2 $0x0  }
0x16: {  	s3 =	sld [smem:$0x3FDB];
	s0 =	simm.s32 @p2 $0x1  }
0x17: {  	s4 =	simm.s32 $0x1BF5;
	[smem:$0x3FB7] =	sst s0  }
0x18: {  	s0 =	sld [smem:$0x3F9A];
	_ =	swait.ge [sflag:s4], $0x0  }
0x19: {  	s7 =	sld [smem:$0x3F9B]  }
0x1a: {  	s8 =	sadd.s32 $0xFFFFE003, lr  }
0x1b: {  	s9 =	sadd.s32 $0xFFFFFEF7, lr;
	s5 =	simm.s32 $0xFFFFFFFF;
	p2 =	slt.u32 s8, $0xFFFFF086  }
0x1c: {  	p1 =	slt.u32 s9, $0xF7A;
	s5 =	simm.s32 @!p2 $0x0  }
0x1d: {  	s5 =	simm.s32 @p1 $0x1;
	p0 =	seq.s32 s7, s2  }
0x1e: {  	s7 =	smul.u32 @!p0 $0xF7A, s2;
	p2 =	seq.s32 @!p0 s5, $0x0  }
0x1f: {  	s9 =	smul.u32 $0xF7A, s1;
	s8 =	simm.s32 @!p0 $0x1BF5;
	p2 =	por !p2, p0  }
0x20: {  	[sflag:s8] =	ssyncset.s32 @!p0 $0xFFFFF086;
	s6 =	sadd.s32 @!p0 s3, s7;
	s7 =	simm.s32 @!p0 $0x108  }
0x21: {  	s3 =	sadd.s32 s3, s9;
	s6 =	sadd.s32 @!p0 $0x88, s6;
	s7 =	simm.s32 @p2 $0x1082  }
0x22: {  	[simem:s7], [sflag:s8] =	dma.local @!p0 [hbm:s6], $0xF7A  }
0x23: {  	s9 =	sor.u32 $0xD0000000, s2;
	s6 =	simm.s32 $0x108;
	_ =	swait.ge @!p0 [sflag:s8], $0x0  }
0x24: {  	s3 =	sadd.s32 $0x88, s3;
	s6 =	simm.s32 @!p1 $0x1082;
	[sflag:s4] =	ssyncset.s32 $0xFFFFF086  }
0x25: {  	[simem:s6], [sflag:s4] =	dma.local [hbm:s3], $0xF7A  }
0x26: {  	[smem:$0x3F9B] =	sst s1;
	(tag) =	ssettag s2;
	_ =	strace s9  }
0x27: {  	s1 =	sld [smem:$0x3FAB]  }
0x28: {  	s2 =	sld [smem:$0x3FAC]  }
0x29: {  	s4 =	sld [smem:$0x3FAE]  }
0x2a: {  	p0 =	seq.s32 s5, $0x0;
	s5 =	sld [smem:$0x3FAF]  }
0x2b: {  	s6 =	sld [smem:$0x3FB0]  }
0x2c: {  	s7 =	sld [smem:$0x3FB1]  }
0x2d: {  	s3 =	simm.s32 $0x108;
	s8 =	sld [smem:$0x3FB2]  }
0x2e: {  	s3 =	simm.s32 @!p0 $0x1082;
	s9 =	sld [smem:$0x3FB3]  }
0x2f: {  	lr =	sadd.s32 s0, s3;
	s0 =	sld [smem:$0x3FAA]  }
0x30: {  	s3 =	sld [smem:$0x3FAD]  }
0x31: {  	[smem:$0x3FB6] =	sst s10  }
0x32: {  	s10 =	sld [smem:$0x3FB4];
	_ =	sdelay $0x3  }
0x33: {  	p0 =	seq.s32 s10, $0x1;
	s10 =	sld [smem:$0x3FB6];
	_ =	sdelay $0x3  }
0x34: {  	[smem:$0x3FB6] =	sst s10  }
0x35: {  	s10 =	sld [smem:$0x3FB5];
	_ =	sdelay $0x3  }
0x36: {  	p1 =	seq.s32 s10, $0x1;
	s10 =	sld [smem:$0x3FB6];
	_ =	sdelay $0x3  }
0x37: {  	[smem:$0x3FB6] =	sst s10  }
0x38: {  	s10 =	sld [smem:$0x3FB7]  }
0x39: {  	_ = 	snop;
	(pc) =	sbr.ind lr, $3  }
0x3a: {  	_ = 	snop  }
0x3b: {  	_ = 	snop  }
0x3c: {  	p2 =	seq.s32 s10, $0x1;
	s10 =	sld [smem:$0x3FB6]  }
0x3d: {  	_ =	shalt  }
0x3e: {  	_ =	shalt  }
0x3f: {  	_ =	shalt  }
0x40: {  	_ =	shalt  }
0x41: {  	_ =	shalt  }
0x42: {  	_ =	shalt  }
0x43: {  	_ =	shalt  }
0x44: {  	_ =	shalt  }
0x45: {  	_ =	shalt  }
0x46: {  	_ =	shalt  }
0x47: {  	_ =	shalt  }
0x48: {  	_ =	shalt  }
0x49: {  	_ =	shalt  }
0x4a: {  	_ =	shalt  }
0x4b: {  	_ =	shalt  }
0x4c: {  	_ =	shalt  }
0x4d: {  	_ =	shalt  }
0x4e: {  	_ =	shalt  }
0x4f: {  	_ =	shalt  }
0x50: {  	_ =	shalt  }
0x51: {  	_ =	shalt  }
0x52: {  	_ =	shalt  }
0x53: {  	_ =	shalt  }
0x54: {  	_ =	shalt  }
0x55: {  	_ =	shalt  }
0x56: {  	_ =	shalt  }
0x57: {  	_ =	shalt  }
0x58: {  	_ =	shalt  }
0x59: {  	_ =	shalt  }
0x5a: {  	_ =	shalt  }
0x5b: {  	_ =	shalt  }
0x5c: {  	_ =	shalt  }
0x5d: {  	_ =	shalt  }
0x5e: {  	_ =	shalt  }
0x5f: {  	_ =	shalt  }
0x60: {  	_ =	shalt  }
0x61: {  	_ =	shalt  }
0x62: {  	_ =	shalt  }
0x63: {  	_ =	shalt  }
0x64: {  	_ =	shalt  }
0x65: {  	_ =	shalt  }
0x66: {  	_ =	shalt  }
0x67: {  	_ =	shalt  }
0x68: {  	_ =	shalt  }
0x69: {  	_ =	shalt  }
0x6a: {  	_ =	shalt  }
0x6b: {  	_ =	shalt  }
0x6c: {  	_ =	shalt  }
0x6d: {  	_ =	shalt  }
0x6e: {  	_ =	shalt  }
0x6f: {  	_ =	shalt  }
0x70: {  	_ =	shalt  }
0x71: {  	_ =	shalt  }
0x72: {  	_ =	shalt  }
0x73: {  	_ =	shalt  }
0x74: {  	_ =	shalt  }
0x75: {  	_ =	shalt  }
0x76: {  	_ =	shalt  }
0x77: {  	_ =	shalt  }
0x78: {  	_ =	shalt  }
0x79: {  	_ =	shalt  }
0x7a: {  	_ =	shalt  }
0x7b: {  	_ =	shalt  }
0x7c: {  	_ =	shalt  }
0x7d: {  	_ =	shalt  }
0x7e: {  	_ =	shalt  }
0x7f: {  	_ =	shalt  }
0x80: {  	_ =	shalt  }
0x81: {  	_ =	shalt  }
0x82: {  	_ =	shalt  }
0x83: {  	_ =	shalt  }
0x84: {  	_ =	shalt  }
0x85: {  	_ =	shalt  }
0x86: {  	_ =	shalt  }
0x87: {  	_ =	shalt  }
.Lfunc_end0:
.L_simem_size_0:
called_computation_lowered:
.L_overlay_start_0:
0x88: {  	s2 =	sld [smem:$0x3FD9]  }
0x89: {  	s3 =	sld [smem:$0x3FFE];
	_ =	sdelay $0x1  }
0x8a: {  	s1 =	srdreg.scid  }
0x8b: {  	s0 =	sand.u32 $0x1, s1  }
0x8c: {  	s17 =	sshll.u32 s0, $0xA;
	s2 =	sadd.s32 s3, s2  }
0x8d: {  	s2 =	sadd.s32 s2, s17  }
0x8e: {  	[smem:$0x3FC2] =	sst s2  }
0x8f: {  	_ = 	snop  }
0x90: {  	s2 =	sld [smem:$0x3FD0];
	(tm) =	ssettm $0x1  }
0x91: {  	s18 =	sld [smem:$0x3FFB];
	_ =	sdelay $0x3  }
0x92: {  	_ =	strace s18  }
0x93: {  	s3 =	sld [smem:$0x3FFC];
	_ =	sdelay $0x3  }
0x94: {  	_ =	strace s3  }
0x95: {  	s3 =	sld [smem:$0x3FFD];
	_ =	sdelay $0x3  }
0x96: {  	_ =	strace s3  }
0x97: {  	_ =	strace $0x8FFFFFFF  }
0x98: {  	s19 =	sld [smem:$0x3FDB];
	_ =	sdelay $0x1  }
0x99: {  	s4 =	simm.s32 $_scs_section_size  }
0x9a: {  	s5 =	simm.s32 $_size__tile_overlayer_lowered;
	s6 =	simm.s32 $_tile_overlayer_lowered  }
0x9b: {  	s22 =	simm.s32 $0x1BFF;
	s21 =	sshll.u32 s6, $0x1;
	s3 =	sadd.s32 s4, s19  }
0x9c: {  	s7 =	simm.s32 $0x0;
	s20 =	sshll.u32 s5, $0x1;
	s5 =	sadd.s32 s21, s3  }
0x9d: {  	[timem:s7], [sflag:s22] =	dma.local [hbm:s5], s20  }
0x9e: {  	_ =	swait.ge [sflag:s22], s20  }
0x9f: {  	s4 =	ssub.s32 $0x0, s20;
	[sflag:s22] =	ssyncset.done $0x0  }
0xa0: {  	[sflag:s22] =	ssyncadd.s32 s4;
	_ =	sdelay $0x1  }
0xa1: {  	s23 =	simm.s32 $0x1B8B  }
0xa2: {  	_ =	swait.ge [sflag:s23], $0x1  }
0xa3: {  	[sflag:s23] =	ssyncset.done $0x0  }
0xa4: {  	s25 =	simm.s32 $0x1B8E;
	s24 =	sld [smem:$0x3FFE];
	[sflag:s23] =	ssyncadd.s32 $0xFFFFFFFF  }
0xa5: {  	s26 =	simm.s32 $execute0_lowered;
	[smem:$0x3FD2] =	sst s25  }
0xa6: {  	s5 =	sshll.u32 s26, $0x1;
	_ =	strace $0x80000046;
	[dreg:$0x1] =	wrdreg $0xFFFFFFFF  }
0xa7: {  	s28 =	simm.s32 $_size_execute0_lowered;
	s3 =	sadd.s32 s3, s5;
	[dreg:$0x0] =	wrdreg $0x0  }
0xa8: {  	s5 =	sshll.u32 s28, $0x1;
	[dreg:$0x2] =	wrdreg s3  }
0xa9: {  	[dreg:$0x3] =	wrdreg s5  }
0xaa: {  	[dreg:$0x4] =	wrdreg $0xC0  }
0xab: {  	_ =	task [dreg:s7], $0x5FFFF  }
0xac: {  	[dreg:$0x1] =	wrdreg $0xFFFFFFFF  }
0xad: {  	[dreg:$0x0] =	wrdreg $0x60  }
0xae: {  	[dreg:$0x2] =	wrdreg s2  }
0xaf: {  	[dreg:$0x3] =	wrdreg s24  }
0xb0: {  	[dreg:$0x4] =	wrdreg $0x9  }
0xb1: {  	_ =	task.clear_ibuf [dreg:s7], $0x5FFFF;
	_ =	strace $0x90000046  }
0xb2: {  	s29 =	simm.s32 $0x9;
	_ =	strace $0x80000048  }
0xb3: {  	_ =	swait.ge [sflag:s29], $0x1  }
0xb4: {  	[sflag:s29] =	ssyncadd.s32 $0xFFFFFFFF  }
0xb5: {  	_ =	strace $0x90000048  }
0xb6: {  	_ =	sfence  }
0xb7: {  	s30 =	sld [smem:$0x0];
	_ =	sdelay $0x2  }
0xb8: {  	s31 =	sshll.u32 s1, $0xD;
	s1 =	sshrl.u32 s1, $0x2  }
0xb9: {  	s3 =	sand.u32 $0x4000, s31;
	s1 =	sadd.s32 s1, s30  }
0xba: {  	s0 =	sor.u32 s3, s0;
	s1 =	sshll.u32 s1, $0x11  }
0xbb: {  	s0 =	sor.u32 s1, s0  }
0xbc: {  	s0 =	sadd.s32 $0x8F2B, s0  }
0xbd: {  	[sflag:s0] =	ssyncadd.remote.s32 $0x1  }
0xbe: {  	_ =	sfence.sel $0xFFFF  }
0xbf: {  	[dreg:$0x0] =	wrdreg $0xFFFFFFFF;
	(pc) =	sbr.abs _section_cstart, $3  }
0xc0: {  	[dreg:$0x1] =	wrdreg $0xFFFFFFFF  }
0xc1: {  	_ =	task.clear_ibuf [dreg:s7], $0x2FFFF;
	_ =	strace $0x9FFFFFFF  }
0xc2: {  	(tm) =	ssettm $0x7FFFFFFF  }
0xc3: {  	_ =	shalt  }
tec
execute0_lowered:
.L_overlay_start_1:
0x0: {  	(tag) =	ssettag $0x1  }
0x1: {  	s0 =	rddreg [dreg:$0x0]  }
0x2: {  	s2 =	rddreg [dreg:$0x1];
	s1 =	simm.s32 $0x0  }
0x3: {  	s4 =	srdreg.scid;
	s9 =	stileid.u32;
	s11 =	simm.s32 $0x3  }
0x4: {  	s12 =	simm.s32 $0x80;
	s13 =	simm.s32 $0x3400;
	s14 =	simm.s32 $0x5400  }
0x5: {  	s16 =	simm.s32 $0x7400;
	s17 =	simm.s32 $0x180;
	s18 =	simm.s32 $0x9400  }
0x6: {  	s19 =	simm.s32 $0xB400;
	s20 =	simm.s32 $0xD400;
	s21 =	simm.s32 $0xF400  }
0x7: {  	s22 =	simm.s32 $0x11400;
	s28 =	simm.s32 $0x3300;
	s29 =	simm.s32 $0x3380  }
0x8: {  	s30 =	simm.s32 $0x0;
	[smem:$0x7FF] =	sst s1;
	s3 =	sadd.s32 $0x27AD400, s2  }
0x9: {  	s6 =	sand.u32 $0x1, s4;
	s5 =	sshll.u32 s9, $0xA;
	s2 =	sadd.s32 $0x1000, s2  }
0xa: {  	s26 =	sshll.u32 s9, $0xD;
	_ =	strace $0x80000047;
	s7 =	sshll.u32 s6, $0x9  }
0xb: {  	s4 =	ssub.s32 $0x2, s6;
	s31 =	sshll.u32 s6, $0xC;
	s5 =	sor.u32 s7, s5  }
0xc: {  	s8 =	sshrl.u32 s4, $0x1;
	s24 =	sshrl.u32 s5, $0x3;
	s5 =	sshll.u32 s5, $0x3  }
0xd: {  	s23 =	ssub.s32 s4, s8;
	s4 =	sadd.s32 s0, s24;
	s25 =	sadd.s32 s2, s5  }
0xe: {  	s5 =	smax.u32 s23, $0x1;
	s2 =	sadd.s32 s26, s2;
	s23 =	simm.s32 $0x1  }
0xf: {  	s24 =	simm.s32 $0x2;
	s26 =	simm.s32 $0x3280;
	s6 =	sadd.s32 $0x300000, s25  }
0x10: {  	s7 =	sadd.s32 $0x320000, s25;
	s8 =	sadd.s32 s31, s2;
	s25 =	simm.s32 $0x3200  }
.LBB2_1:
0x11: {  	s0 =	simm.s32 $0x200;
	s2 =	simm.s32 $0x4000  }
0x12: {  	[tilespmem:s1], [sflag:$0x3] =	stream.strided.gather [hbm4b:s4+s0], $0x3400, s2, s0, $0x38;
	[tilespmem:$0x13400] =	vst v63  }
0x13: {  	_ =	swait.ge [sflag:s11], $0x3400  }
0x14: {  	[sflag:s11] =	ssyncset.done $0x0  }
0x15: {  	s31 =	simm.s32 $0xFFFFFE00;
	[sflag:s11] =	ssyncadd.s32 $0xFFFFCC00  }
0x16: {  	v0 =	vld [tilespmem:s31+$0x400]  }
0x17: {  	v1 =	vld [tilespmem:s31+$0x600]  }
0x18: {  	v2 =	vld [tilespmem:s31+$0x800]  }
0x19: {  	v3 =	vld [tilespmem:s31+$0xA00]  }
0x1a: {  	v4 =	vld [tilespmem:s31+$0xC00]  }
0x1b: {  	v5 =	vld [tilespmem:s31+$0xE00];
	v0 =	vadd.s32 $0x186A0, v0  }
0x1c: {  	[tilespmem:s31+$0x400] =	vst v0;
	v0 =	vadd.s32 $0x30D40, v1;
	v1 =	vld [tilespmem:s31+$0x1000]  }
0x1d: {  	[tilespmem:s31+$0x600] =	vst v0;
	v0 =	vadd.s32 $0x493E0, v2;
	v2 =	vld [tilespmem:s31+$0x1200]  }
0x1e: {  	[tilespmem:s31+$0x800] =	vst v0;
	v0 =	vadd.s32 $0x61A80, v3;
	v3 =	vld [tilespmem:s31+$0x1400]  }
0x1f: {  	[tilespmem:s31+$0xA00] =	vst v0;
	v0 =	vadd.s32 $0x7A120, v4;
	v4 =	vld [tilespmem:s31+$0x1600]  }
0x20: {  	[tilespmem:s31+$0xC00] =	vst v0;
	v0 =	vadd.s32 $0x927C0, v5;
	v5 =	vld [tilespmem:s31+$0x1800]  }
0x21: {  	[tilespmem:s31+$0xE00] =	vst v0;
	v0 =	vadd.s32 $0xAAE60, v1;
	v1 =	vld [tilespmem:s31+$0x1A00]  }
0x22: {  	[tilespmem:s31+$0x1000] =	vst v0;
	v0 =	vadd.s32 $0xC3500, v2;
	v2 =	vld [tilespmem:s31+$0x1C00]  }
0x23: {  	[tilespmem:s31+$0x1200] =	vst v0;
	v0 =	vadd.s32 $0xDBBA0, v3;
	v3 =	vld [tilespmem:s31+$0x1E00]  }
0x24: {  	[tilespmem:s31+$0x1400] =	vst v0;
	v0 =	vadd.s32 $0xF4240, v4;
	v4 =	vld [tilespmem:s31+$0x2000]  }
0x25: {  	[tilespmem:s31+$0x1600] =	vst v0;
	v0 =	vadd.s32 $0x10C8E0, v5;
	v5 =	vld [tilespmem:s31+$0x2200]  }
0x26: {  	v6 =	vld [tilespmem:s31+$0x2400];
	[tilespmem:s31+$0x1800] =	vst v0;
	v0 =	vadd.s32 $0x124F80, v1  }
0x27: {  	v7 =	vld [tilespmem:s31+$0x2600];
	[tilespmem:s31+$0x1A00] =	vst v0;
	v0 =	vadd.s32 $0x13D620, v2  }
0x28: {  	v8 =	vld [tilespmem:s31+$0x2800];
	[tilespmem:s31+$0x1C00] =	vst v0;
	v0 =	vadd.s32 $0x155CC0, v3  }
0x29: {  	v1 =	vld [tilespmem:s31+$0x2A00];
	[tilespmem:s31+$0x1E00] =	vst v0;
	v0 =	vadd.s32 $0x16E360, v4  }
0x2a: {  	[tilespmem:s31+$0x2000] =	vst v0;
	v2 =	vadd.s32 $0x186A00, v5;
	v0 =	vld [tilespmem:s31+$0x2C00]  }
0x2b: {  	v3 =	vadd.s32 $0x19F0A0, v6;
	[tilespmem:s31+$0x2200] =	vst v2;
	v2 =	vld [tilespmem:s31+$0x2E00]  }
0x2c: {  	[tilespmem:s31+$0x2400] =	vst v3;
	v4 =	vadd.s32 $0x1B7740, v7;
	v3 =	vld [tilespmem:s31+$0x3000]  }
0x2d: {  	s0 =	simm.s32 $0xFFFFF840;
	[tilespmem:s31+$0x2600] =	vst v4;
	v5 =	vadd.s32 $0x1CFDE0, v8;
	v4 =	vld [tilespmem:s31+$0x3200]  }
.LBB2_2:
0x2e: {  	s2 =	sshra.s32 s0, $0x2;
	p0 =	sne.s32 s0, $0xFFFFFFC0;
	[tilespmem:s31+$0x2800] =	vst v5;
	v1 =	vadd.s32 $0x1E8480, v1;
	v5 =	vld [tilespmem:s31+$0x3400]  }
0x2f: {  	v6 =	vld [tilespmem:s2+$0x400];
	[tilespmem:s31+$0x2A00] =	vst v1;
	v0 =	vadd.s32 $0x200B20, v0  }
0x30: {  	v1 =	vld [tilespmem:s2+$0x600];
	[tilespmem:s31+$0x2C00] =	vst v0;
	v0 =	vadd.s32 $0x2191C0, v2  }
0x31: {  	v2 =	vld [tilespmem:s2+$0x800];
	[tilespmem:s31+$0x2E00] =	vst v0;
	v0 =	vadd.s32 $0x231860, v3  }
0x32: {  	v3 =	vld [tilespmem:s2+$0xA00];
	[tilespmem:s31+$0x3000] =	vst v0;
	v0 =	vadd.s32 $0x249F00, v4  }
0x33: {  	v4 =	vld [tilespmem:s2+$0xC00];
	[tilespmem:s31+$0x3200] =	vst v0;
	v0 =	vadd.s32 $0x2625A0, v5  }
0x34: {  	v5 =	vadd.s32 $0x186A0, v6;
	v6 =	vld [tilespmem:s2+$0xE00];
	[tilespmem:s31+$0x3400] =	vst v0;
	s31 =	smov.u32 s2  }
0x35: {  	[tilespmem:s31+$0x400] =	vst v5;
	v0 =	vadd.s32 $0x30D40, v1;
	v1 =	vld [tilespmem:s31+$0x1000]  }
0x36: {  	[tilespmem:s31+$0x600] =	vst v0;
	v0 =	vadd.s32 $0x493E0, v2;
	v2 =	vld [tilespmem:s31+$0x1200]  }
0x37: {  	[tilespmem:s31+$0x800] =	vst v0;
	v0 =	vadd.s32 $0x61A80, v3;
	v3 =	vld [tilespmem:s31+$0x1400]  }
0x38: {  	[tilespmem:s31+$0xA00] =	vst v0;
	v0 =	vadd.s32 $0x7A120, v4;
	v4 =	vld [tilespmem:s31+$0x1600]  }
0x39: {  	[tilespmem:s31+$0xC00] =	vst v0;
	v0 =	vadd.s32 $0x927C0, v6;
	v5 =	vld [tilespmem:s31+$0x1800]  }
0x3a: {  	[tilespmem:s31+$0xE00] =	vst v0;
	v0 =	vadd.s32 $0xAAE60, v1;
	v1 =	vld [tilespmem:s31+$0x1A00]  }
0x3b: {  	[tilespmem:s31+$0x1000] =	vst v0;
	v0 =	vadd.s32 $0xC3500, v2;
	v2 =	vld [tilespmem:s31+$0x1C00]  }
0x3c: {  	[tilespmem:s31+$0x1200] =	vst v0;
	v0 =	vadd.s32 $0xDBBA0, v3;
	v3 =	vld [tilespmem:s31+$0x1E00]  }
0x3d: {  	[tilespmem:s31+$0x1400] =	vst v0;
	v0 =	vadd.s32 $0xF4240, v4;
	v4 =	vld [tilespmem:s31+$0x2000]  }
0x3e: {  	[tilespmem:s31+$0x1600] =	vst v0;
	v0 =	vadd.s32 $0x10C8E0, v5;
	v5 =	vld [tilespmem:s31+$0x2200]  }
0x3f: {  	[tilespmem:s31+$0x1800] =	vst v0;
	v0 =	vadd.s32 $0x124F80, v1;
	v6 =	vld [tilespmem:s31+$0x2400]  }
0x40: {  	[tilespmem:s31+$0x1A00] =	vst v0;
	v0 =	vadd.s32 $0x13D620, v2;
	v7 =	vld [tilespmem:s31+$0x2600]  }
0x41: {  	[tilespmem:s31+$0x1C00] =	vst v0;
	v0 =	vadd.s32 $0x155CC0, v3;
	v8 =	vld [tilespmem:s31+$0x2800]  }
.Ltmp0:
0x42: {  	[tilespmem:s31+$0x1E00] =	vst v0;
	v0 =	vadd.s32 $0x16E360, v4;
	v1 =	vld [tilespmem:s31+$0x2A00];
	(pc) =	sbr.rel @p0 .LBB2_2-.Ltmp0, $4  }
0x43: {  	[tilespmem:s31+$0x2000] =	vst v0;
	v2 =	vadd.s32 $0x186A00, v5;
	v0 =	vld [tilespmem:s31+$0x2C00]  }
0x44: {  	[tilespmem:s31+$0x2200] =	vst v2;
	v3 =	vadd.s32 $0x19F0A0, v6;
	v2 =	vld [tilespmem:s31+$0x2E00]  }
0x45: {  	[tilespmem:s31+$0x2400] =	vst v3;
	v4 =	vadd.s32 $0x1B7740, v7;
	v3 =	vld [tilespmem:s31+$0x3000]  }
0x46: {  	s0 =	sadd.s32 $0x40, s0;
	[tilespmem:s31+$0x2600] =	vst v4;
	v5 =	vadd.s32 $0x1CFDE0, v8;
	v4 =	vld [tilespmem:s31+$0x3200]  }
0x47: {  	[tilespmem:s31+$0x2800] =	vst v5;
	v1 =	vadd.s32 $0x1E8480, v1;
	v59 =	vld [tilespmem:s31+$0x3400]  }
0x48: {  	[tilespmem:s31+$0x2A00] =	vst v1;
	v0 =	vadd.s32 $0x200B20, v0  }
0x49: {  	[tilespmem:s31+$0x2C00] =	vst v0;
	v60 =	vadd.s32 $0x2191C0, v2  }
0x4a: {  	[tilespmem:s31+$0x2E00] =	vst v60;
	v61 =	vadd.s32 $0x231860, v3  }
0x4b: {  	[tilespmem:s31+$0x3000] =	vst v61;
	v62 =	vadd.s32 $0x249F00, v4  }
0x4c: {  	[tilespmem:s31+$0x3200] =	vst v62;
	v63 =	vadd.s32 $0x2625A0, v59  }
0x4d: {  	s0 =	simm.s32 $0x0;
	[tilespmem:s31+$0x3400] =	vst v63  }
0x4e: {  	[tilespmem:s13], [sflag:$0x1] =	stream.indirect.gather [hbm4b:s3+s12], $0x40, s0, s12, $0xb8;
	[tilespmem:$0x13400] =	vst v63  }
0x4f: {  	_ = 	snop  }
0x50: {  	[tilespmem:s14], [sflag:$0x1] =	stream.indirect.gather [hbm4b:s3+s12], $0x40, s12, s12, $0xb8;
	[tilespmem:$0x13400] =	vst v63  }
0x51: {  	s10 =	simm.s32 $0x100  }
0x52: {  	[tilespmem:s16], [sflag:$0x1] =	stream.indirect.gather [hbm4b:s3+s12], $0x40, s10, s12, $0xb8;
	[tilespmem:$0x13400] =	vst v63  }
0x53: {  	_ = 	snop  }
0x54: {  	[tilespmem:s18], [sflag:$0x1] =	stream.indirect.gather [hbm4b:s3+s12], $0x40, s17, s12, $0xb8;
	[tilespmem:$0x13400] =	vst v63  }
0x55: {  	s15 =	simm.s32 $0x200  }
0x56: {  	[tilespmem:s19], [sflag:$0x2] =	stream.indirect.gather [hbm4b:s3+s12], $0x40, s15, s12, $0xb8;
	[tilespmem:$0x13400] =	vst v63  }
0x57: {  	s2 =	simm.s32 $0x280  }
0x58: {  	[tilespmem:s20], [sflag:$0x2] =	stream.indirect.gather [hbm4b:s3+s12], $0x40, s2, s12, $0xb8;
	[tilespmem:$0x13400] =	vst v63  }
0x59: {  	s9 =	simm.s32 $0x300  }
0x5a: {  	[tilespmem:s21], [sflag:$0x2] =	stream.indirect.gather [hbm4b:s3+s12], $0x40, s9, s12, $0xb8;
	[tilespmem:$0x13400] =	vst v63  }
0x5b: {  	s10 =	simm.s32 $0x380  }
0x5c: {  	[tilespmem:s22], [sflag:$0x2] =	stream.indirect.gather [hbm4b:s3+s12], $0x40, s10, s12, $0xb8;
	[tilespmem:$0x13400] =	vst v63  }
0x5d: {  	_ =	swait.ge [sflag:s23], $0x8000  }
0x5e: {  	[sflag:s23] =	ssyncset.done $0x0  }
0x5f: {  	[sflag:s23] =	ssyncadd.s32 $0xFFFF8000  }
0x60: {  	[hbm4b:s8+s1] =	stream.linear.scatter [tilespmem:s13], [sflag:$0x3], $0x8000, $0x38;
	[tilespmem:$0x13400] =	vst v63  }
0x61: {  	_ =	swait.ge [sflag:s11], $0x8000  }
0x62: {  	[sflag:s11] =	ssyncset.done $0x0  }
0x63: {  	s15 =	simm.s32 $0x400;
	[sflag:s11] =	ssyncadd.s32 $0xFFFF8000  }
0x64: {  	[tilespmem:s13], [sflag:$0x1] =	stream.indirect.gather [hbm4b:s3+s12], $0x40, s15, s12, $0xb8;
	[tilespmem:$0x13400] =	vst v63  }
0x65: {  	s2 =	simm.s32 $0x480  }
0x66: {  	[tilespmem:s14], [sflag:$0x1] =	stream.indirect.gather [hbm4b:s3+s12], $0x40, s2, s12, $0xb8;
	[tilespmem:$0x13400] =	vst v63  }
0x67: {  	s9 =	simm.s32 $0x500  }
0x68: {  	[tilespmem:s16], [sflag:$0x1] =	stream.indirect.gather [hbm4b:s3+s12], $0x40, s9, s12, $0xb8;
	[tilespmem:$0x13400] =	vst v63  }
0x69: {  	s10 =	simm.s32 $0x580  }
0x6a: {  	[tilespmem:s18], [sflag:$0x1] =	stream.indirect.gather [hbm4b:s3+s12], $0x40, s10, s12, $0xb8;
	[tilespmem:$0x13400] =	vst v63  }
0x6b: {  	_ =	swait.ge [sflag:s24], $0x8000  }
0x6c: {  	[sflag:s24] =	ssyncset.done $0x0  }
0x6d: {  	s15 =	sadd.s32 $0x20000, s8;
	[sflag:s24] =	ssyncadd.s32 $0xFFFF8000  }
0x6e: {  	[hbm4b:s15+s1] =	stream.linear.scatter [tilespmem:s19], [sflag:$0x3], $0x8000, $0x38;
	[tilespmem:$0x13400] =	vst v63  }
0x6f: {  	s31 =	simm.s32 $0x400;
	_ =	swait.ge [sflag:s11], $0x8000  }
0x70: {  	s0 =	sadd.s32 $0x40000, s8;
	s2 =	simm.s32 $0x2000;
	[sflag:s11] =	ssyncset.done $0x0  }
.LBB2_4:
0x71: {  	s9 =	sadd.s32 $0x200, s31  }
0x72: {  	[sflag:s11] =	ssyncadd.s32 $0xFFFF8000;
	s10 =	smov.u32 s2;
	s15 =	sadd.s32 $0x1000, s2  }
0x73: {  	[tilespmem:s19], [sflag:$0x2] =	stream.indirect.gather [hbm4b:s3+s12], $0x40, s9, s12, $0xb8;
	[tilespmem:$0x13400] =	vst v63  }
0x74: {  	p0 =	sne.s32 s2, $0xB000;
	s2 =	sadd.s32 $0x280, s31  }
0x75: {  	[tilespmem:s20], [sflag:$0x2] =	stream.indirect.gather [hbm4b:s3+s12], $0x40, s2, s12, $0xb8;
	[tilespmem:$0x13400] =	vst v63  }
0x76: {  	s2 =	sadd.s32 $0x300, s31  }
0x77: {  	[tilespmem:s21], [sflag:$0x2] =	stream.indirect.gather [hbm4b:s3+s12], $0x40, s2, s12, $0xb8;
	[tilespmem:$0x13400] =	vst v63  }
0x78: {  	s2 =	sadd.s32 $0x380, s31  }
0x79: {  	[tilespmem:s22], [sflag:$0x2] =	stream.indirect.gather [hbm4b:s3+s12], $0x40, s2, s12, $0xb8;
	[tilespmem:$0x13400] =	vst v63  }
0x7a: {  	_ =	swait.ge [sflag:s23], $0x8000  }
0x7b: {  	[sflag:s23] =	ssyncset.done $0x0  }
0x7c: {  	[sflag:s23] =	ssyncadd.s32 $0xFFFF8000  }
0x7d: {  	[hbm4b:s0+s1] =	stream.linear.scatter [tilespmem:s13], [sflag:$0x3], $0x8000, $0x38;
	[tilespmem:$0x13400] =	vst v63  }
0x7e: {  	_ =	swait.ge [sflag:s11], $0x8000  }
0x7f: {  	[sflag:s11] =	ssyncset.done $0x0  }
0x80: {  	s2 =	sadd.s32 $0x400, s31;
	[sflag:s11] =	ssyncadd.s32 $0xFFFF8000  }
0x81: {  	[tilespmem:s13], [sflag:$0x1] =	stream.indirect.gather [hbm4b:s3+s12], $0x40, s2, s12, $0xb8;
	[tilespmem:$0x13400] =	vst v63  }
0x82: {  	s2 =	sadd.s32 $0x480, s31  }
0x83: {  	[tilespmem:s14], [sflag:$0x1] =	stream.indirect.gather [hbm4b:s3+s12], $0x40, s2, s12, $0xb8;
	[tilespmem:$0x13400] =	vst v63  }
0x84: {  	s2 =	sadd.s32 $0x500, s31  }
0x85: {  	[tilespmem:s16], [sflag:$0x1] =	stream.indirect.gather [hbm4b:s3+s12], $0x40, s2, s12, $0xb8;
	[tilespmem:$0x13400] =	vst v63  }
0x86: {  	s2 =	sadd.s32 $0x580, s31  }
0x87: {  	[tilespmem:s18], [sflag:$0x1] =	stream.indirect.gather [hbm4b:s3+s12], $0x40, s2, s12, $0xb8;
	[tilespmem:$0x13400] =	vst v63  }
0x88: {  	_ =	swait.ge [sflag:s24], $0x8000  }
.Ltmp1:
0x89: {  	[sflag:s24] =	ssyncset.done $0x0;
	(pc) =	sbr.rel @p0 .LBB2_4-.Ltmp1, $4  }
0x8a: {  	s2 =	sadd.s32 $0x20000, s0;
	[sflag:s24] =	ssyncadd.s32 $0xFFFF8000  }
0x8b: {  	[hbm4b:s2+s1] =	stream.linear.scatter [tilespmem:s19], [sflag:$0x3], $0x8000, $0x38;
	[tilespmem:$0x13400] =	vst v63  }
0x8c: {  	s31 =	sshra.s32 s10, $0x2;
	_ =	swait.ge [sflag:s11], $0x8000  }
0x8d: {  	s0 =	sadd.s32 $0x40000, s0;
	s2 =	smov.u32 s15;
	[sflag:s11] =	ssyncset.done $0x0  }
0x8e: {  	s2 =	sadd.s32 $0x200, s31;
	[sflag:s11] =	ssyncadd.s32 $0xFFFF8000  }
0x8f: {  	[tilespmem:s19], [sflag:$0x2] =	stream.indirect.gather [hbm4b:s3+s12], $0x40, s2, s12, $0xb8;
	[tilespmem:$0x13400] =	vst v63  }
0x90: {  	s15 =	sadd.s32 $0x280, s31  }
0x91: {  	[tilespmem:s20], [sflag:$0x2] =	stream.indirect.gather [hbm4b:s3+s12], $0x40, s15, s12, $0xb8;
	[tilespmem:$0x13400] =	vst v63  }
0x92: {  	s9 =	sadd.s32 $0x300, s31  }
0x93: {  	[tilespmem:s21], [sflag:$0x2] =	stream.indirect.gather [hbm4b:s3+s12], $0x40, s9, s12, $0xb8;
	[tilespmem:$0x13400] =	vst v63  }
0x94: {  	s10 =	sadd.s32 $0x380, s31  }
0x95: {  	[tilespmem:s22], [sflag:$0x2] =	stream.indirect.gather [hbm4b:s3+s12], $0x40, s10, s12, $0xb8;
	[tilespmem:$0x13400] =	vst v63  }
0x96: {  	_ =	swait.ge [sflag:s23], $0x8000  }
0x97: {  	[sflag:s23] =	ssyncset.done $0x0  }
0x98: {  	[sflag:s23] =	ssyncadd.s32 $0xFFFF8000  }
0x99: {  	[hbm4b:s0+s1] =	stream.linear.scatter [tilespmem:s13], [sflag:$0x3], $0x8000, $0x38;
	[tilespmem:$0x13400] =	vst v63  }
0x9a: {  	_ =	swait.ge [sflag:s11], $0x8000  }
0x9b: {  	[sflag:s11] =	ssyncset.done $0x0  }
0x9c: {  	s15 =	sadd.s32 $0x400, s31;
	[sflag:s11] =	ssyncadd.s32 $0xFFFF8000  }
0x9d: {  	[tilespmem:s13], [sflag:$0x1] =	stream.indirect.gather [hbm4b:s3+s12], $0x40, s15, s12, $0xb8;
	[tilespmem:$0x13400] =	vst v63  }
0x9e: {  	s9 =	sadd.s32 $0x480, s31  }
0x9f: {  	[tilespmem:s14], [sflag:$0x1] =	stream.indirect.gather [hbm4b:s3+s12], $0x40, s9, s12, $0xb8;
	[tilespmem:$0x13400] =	vst v63  }
0xa0: {  	s10 =	sadd.s32 $0x500, s31  }
0xa1: {  	[tilespmem:s16], [sflag:$0x1] =	stream.indirect.gather [hbm4b:s3+s12], $0x40, s10, s12, $0xb8;
	[tilespmem:$0x13400] =	vst v63  }
0xa2: {  	s15 =	sadd.s32 $0x580, s31  }
0xa3: {  	[tilespmem:s18], [sflag:$0x1] =	stream.indirect.gather [hbm4b:s3+s12], $0x40, s15, s12, $0xb8;
	[tilespmem:$0x13400] =	vst v63  }
0xa4: {  	_ =	swait.ge [sflag:s24], $0x8000  }
0xa5: {  	[sflag:s24] =	ssyncset.done $0x0  }
0xa6: {  	s31 =	sadd.s32 $0x20000, s0;
	[sflag:s24] =	ssyncadd.s32 $0xFFFF8000  }
0xa7: {  	[hbm4b:s31+s1] =	stream.linear.scatter [tilespmem:s19], [sflag:$0x3], $0x8000, $0x38;
	[tilespmem:$0x13400] =	vst v63  }
0xa8: {  	_ =	swait.ge [sflag:s11], $0x8000  }
0xa9: {  	[sflag:s11] =	ssyncset.done $0x0  }
0xaa: {  	[sflag:s11] =	ssyncadd.s32 $0xFFFF8000  }
0xab: {  	[tilespmem:s19], [sflag:$0x2] =	stream.indirect.gather [hbm4b:s3+s12], $0x40, s25, s12, $0xb8;
	[tilespmem:$0x13400] =	vst v63  }
0xac: {  	_ = 	snop  }
0xad: {  	[tilespmem:s20], [sflag:$0x2] =	stream.indirect.gather [hbm4b:s3+s12], $0x40, s26, s12, $0xb8;
	[tilespmem:$0x13400] =	vst v63  }
0xae: {  	_ = 	snop  }
0xaf: {  	[tilespmem:s21], [sflag:$0x2] =	stream.indirect.gather [hbm4b:s3+s12], $0x40, s28, s12, $0xb8;
	[tilespmem:$0x13400] =	vst v63  }
0xb0: {  	_ = 	snop  }
0xb1: {  	[tilespmem:s22], [sflag:$0x2] =	stream.indirect.gather [hbm4b:s3+s12], $0x40, s29, s12, $0xb8;
	[tilespmem:$0x13400] =	vst v63  }
0xb2: {  	_ =	swait.ge [sflag:s23], $0x8000  }
0xb3: {  	[sflag:s23] =	ssyncset.done $0x0  }
0xb4: {  	[sflag:s23] =	ssyncadd.s32 $0xFFFF8000  }
0xb5: {  	[hbm4b:s6+s1] =	stream.linear.scatter [tilespmem:s13], [sflag:$0x3], $0x8000, $0x38;
	[tilespmem:$0x13400] =	vst v63  }
0xb6: {  	_ =	swait.ge [sflag:s11], $0x8000  }
0xb7: {  	[sflag:s11] =	ssyncset.done $0x0  }
0xb8: {  	[sflag:s11] =	ssyncadd.s32 $0xFFFF8000  }
0xb9: {  	s30 =	sadd.s32 $0x1, s30;
	_ =	swait.ge [sflag:s24], $0x8000  }
0xba: {  	p0 =	sne.s32 s30, s5;
	[sflag:s24] =	ssyncset.done $0x0  }
.Ltmp2:
0xbb: {  	[sflag:s24] =	ssyncadd.s32 $0xFFFF8000;
	(pc) =	sbr.rel @p0 .LBB2_1-.Ltmp2, $4  }
0xbc: {  	[hbm4b:s7+s1] =	stream.linear.scatter [tilespmem:s19], [sflag:$0x3], $0x8000, $0x38;
	[tilespmem:$0x13400] =	vst v63  }
0xbd: {  	_ =	swait.ge [sflag:s11], $0x8000  }
0xbe: {  	[sflag:s11] =	ssyncset.done $0x0  }
0xbf: {  	[sflag:s11] =	ssyncadd.s32 $0xFFFF8000  }
0xc0: {  	_ =	sfence.sel $0x180000  }
0xc1: {  	[bflag:$0x0] =	sbarrier.arrive $0xFFFF  }
0xc2: {  	_ =	strace $0x90000047  }
0xc3: {  	s0 =	stileid.u32;
	[bflag:$0x2] =	sbarrier.arrive $0xFFFF  }
0xc4: {  	p0 =	sne.s32 s0, $0x0;
	s0 =	rddreg [dreg:$0x2]  }
0xc5: {  	s0 =	sadd.s32 @!p0 $0x100000, s0  }
0xc6: {  	[sflag:s0] =	ssyncadd.tile.s32 @!p0 $0x1;
	_ =	shalt  }
.Lfunc_end2:
_tile_overlayer_lowered:
.L_overlay_start_2:
0xc7: {  	(tag) =	ssettag $0x2  }
0xc8: {  	s0 =	rddreg [dreg:$0x0];
	s2 =	stileid.u32  }
0xc9: {  	s1 =	rddreg [dreg:$0x1];
	p0 =	sne.s32 s2, $0x0  }
0xca: {  	s3 =	rddreg [dreg:$0x2];
	[bflag:$0x3] =	sbarrier.arrive $0xFFFF;
	s2 =	simm.s32 @!p0 $0x1C03  }
0xcb: {  	[timem:s3], [sflag:s2] =	dma.local @!p0 [hbm:s0], s1  }
0xcc: {  	s0 =	simm.s32 @!p0 $0x3  }
0xcd: {  	_ =	swait.ge @!p0 [sflag:s0], s1  }
0xce: {  	s1 =	ssub.s32 @!p0 $0x0, s1;
	[sflag:s0] =	ssyncset.done @!p0 $0x0  }
0xcf: {  	[sflag:s0] =	ssyncadd.s32 @!p0 s1  }
0xd0: {  	[bflag:$0x3] =	sbarrier.arrive $0xFFFF  }
0xd1: {  	_ =	shalt  }

</sc_bundles>
